<compile_context>
chip_gen: v7x
topology: tpu7x:2x2x1
jax: 0.10.2.dev20260603
libtpu: 0.0.44.dev20260713+nightly
codegen_flags: <defaults>
</compile_context>

<pallas_src>
import functools

import jax
import jax.numpy as jnp
from jax import lax
from jax.experimental import pallas as pl
from jax.experimental.pallas import tpu as pltpu
from jax.experimental.pallas import tpu_sc as plsc

_NUM_CORES = 2
_NUM_SUBCORES = 16
_NW = _NUM_CORES * _NUM_SUBCORES
_NBUF = 2
_L = 16


@functools.lru_cache(maxsize=None)
def _build_retile(V, D, R):
    W = D // 2
    per_w = V // _NW
    n_ch = per_w // R
    mesh = plsc.VectorSubcoreMesh(core_axis_name="c", subcore_axis_name="s")

    @functools.partial(
        pl.kernel,
        mesh=mesh,
        out_type=jax.ShapeDtypeStruct((V, W), jnp.int32),
        scratch_types=[
            pltpu.VMEM((R, D), jnp.bfloat16),
            pltpu.VMEM((R, W), jnp.int32),
        ],
        compiler_params=pltpu.CompilerParams(use_tc_tiling_on_sc=False, needs_layout_passes=False),
    )
    def k1(tbl_bf16, out_i32, buf_bf, buf_i32):
        wid = lax.axis_index("s") * _NUM_CORES + lax.axis_index("c")
        base = wid * per_w

        def body(j, carry):
            off = base + j * R
            pltpu.sync_copy(tbl_bf16.at[pl.ds(off, R)], buf_bf)

            def conv(t, c2):
                for r in range(2):
                    for h in range(W // _L):
                        x = buf_bf[2 * t + r, pl.ds(h * 2 * _L, 2 * _L)]
                        buf_i32[2 * t + r, pl.ds(h * _L, _L)] = plsc.bitcast(
                            x, jnp.int32
                        )
                return c2

            lax.fori_loop(0, R // 2, conv, 0)
            pltpu.sync_copy(buf_i32, out_i32.at[pl.ds(off, R)])
            return carry

        lax.fori_loop(0, n_ch, body, 0)

    return k1


@functools.lru_cache(maxsize=None)
def _build_gather(B, V, D, CH):
    W = D // 2
    per_w = B // _NW
    n_ch = per_w // CH
    outer = n_ch // _NBUF
    mesh = plsc.VectorSubcoreMesh(core_axis_name="c", subcore_axis_name="s")

    @functools.partial(
        pl.kernel,
        mesh=mesh,
        out_type=jax.ShapeDtypeStruct((B, D), jnp.bfloat16),
        scratch_types=[
            pltpu.VMEM((per_w,), jnp.int32),
            pltpu.VMEM((_NBUF, CH, W), jnp.int32),
            pltpu.VMEM((CH, D), jnp.bfloat16),
            pltpu.SemaphoreType.DMA((_NBUF,)),
        ],
        compiler_params=pltpu.CompilerParams(use_tc_tiling_on_sc=False, needs_layout_passes=False),
    )
    def k2(table_hbm, idx_hbm, out_hbm, idx_v, rows_v, bf_v, gsem):
        wid = lax.axis_index("s") * _NUM_CORES + lax.axis_index("c")
        base = wid * per_w
        pltpu.sync_copy(idx_hbm.at[pl.ds(base, per_w)], idx_v)

        def fire(j, b):
            pltpu.async_copy(
                table_hbm.at[idx_v.at[pl.ds(j * CH, CH)]],
                rows_v.at[b],
                gsem.at[b],
            )

        def drain(b):
            pltpu.make_async_copy(
                table_hbm.at[idx_v.at[pl.ds(0, CH)]],
                rows_v.at[b],
                gsem.at[b],
            ).wait()

        for b in range(_NBUF):
            fire(b, b)

        def body(i, carry):
            for b in range(_NBUF):
                j = i * _NBUF + b
                drain(b)

                def conv(t, c2):
                    for r in range(2):
                        for h in range(W // _L):
                            x = rows_v[b, 2 * t + r, pl.ds(h * _L, _L)]
                            bf_v[2 * t + r, pl.ds(h * 2 * _L, 2 * _L)] = (
                                plsc.bitcast(x, jnp.bfloat16)
                            )
                    return c2

                lax.fori_loop(0, CH // 2, conv, 0)
                pltpu.sync_copy(bf_v, out_hbm.at[pl.ds(base + j * CH, CH)])

                @pl.when(j + _NBUF < n_ch)
                def _():
                    fire(j + _NBUF, b)

            return carry

        lax.fori_loop(0, outer, body, 0)

    return k2


def kernel(input, weight):
    B = input.shape[0] * input.shape[1]
    V, D = weight.shape
    idx = input.reshape(B).astype(jnp.int32)
    table_i32 = _build_retile(V, D, 1250)(weight)
    out = _build_gather(B, V, D, 800)(table_i32, idx)
    return out.reshape(input.shape + (D,))

# --- scband reference (transcript-rebuilt; emitter-appended) ---
"""Pipeline reference for scband-qlv3-model-compressor-module-embedding-mod-74938589380676 (READ-ONLY COPY).

The authoritative reference and input builder live on the scoring server;
editing this copy changes nothing except your own understanding.
"""

import jax, jax.numpy as jnp
import numpy as np

VOCAB = 1000000
EMBED_DIM = 64
BATCH = 16384
HIST = 50

def setup_inputs(seed: int = 0) -> dict:
    key = jax.random.key(seed)
    k_idx, k_w = jax.random.split(key)
    indices = jax.random.randint(k_idx, (BATCH, HIST), 0, VOCAB, dtype=jnp.int64)
    # Learned embedding table, stored in bfloat16 (matches the quantized-emulation
    # fast path in the torch module where weight.dtype == bfloat16, so no dequantizer runs).
    weight = (jax.random.normal(k_w, (VOCAB, EMBED_DIM), dtype=jnp.float32) * 0.02).astype(jnp.bfloat16)
    return {"input": indices, "weight": weight}

def reference(input, weight):
    # Faithful translation of QLV3_ModelCompressorModuleEmbedding_MOD.forward:
    # input must be integer dtype (guaranteed by setup), weight is already bfloat16
    # and emul_dtype is bfloat16, so the weight passes through unchanged and the
    # wrapped nn.Embedding performs a row gather.
    _weight = weight  # dtype == bfloat16, emul fast path: no conversion
    output = jnp.take(_weight, input, axis=0)  # [BATCH, HIST, EMBED_DIM] bf16
    return output

if __name__ == "__main__":
    import jax
    _d = setup_inputs()
    print(jax.jit(kernel)(*tuple(_d.values())))

</pallas_src>

<mosaic_0001>
#map = affine_map<(d0, d1) -> (0, 0)>
module attributes {stable_mosaic.version = 14 : i64} {
  func.func @k1(%arg0: i32, %arg1: i32, %arg2: memref<1000000x64xbf16, #tpu.memory_space<hbm>>, %arg3: memref<1000000x32xi32, #tpu.memory_space<hbm>>, %arg4: memref<1250x64xbf16, #tpu.memory_space<vmem>>, %arg5: memref<1250x32xi32, #tpu.memory_space<vmem>>) attributes {dimension_semantics = [#tpu.dimension_semantics<core_parallel>, #tpu.dimension_semantics<subcore_parallel>], iteration_bounds = array<i64: 2, 16>, scalar_prefetch = 0 : i64, scratch_operands = 2 : i64, tpu.core_type = #tpu.core_type<sc_vector_subcore>, window_params = [{transform_indices = #map}, {transform_indices = #map}]} {
    %mul3A = arith.constant 2 : i32
    %mul3A_0 = arith.muli %arg1, %mul3A : i32
    %add3A = arith.addi %mul3A_0, %arg0 : i32
    %mul3A_1 = arith.constant 31250 : i32
    %mul3A_2 = arith.muli %add3A, %mul3A_1 : i32
    %scan3A = arith.constant 0 : i32
    %scan3A_3 = arith.constant 0 : i32
    %scan3A_4 = arith.constant 25 : i32
    %scan3A_5 = arith.addi %scan3A_3, %scan3A_4 : i32
    %scan3A_6 = arith.constant 1 : i32
    scf.for %scan3A_8 = %scan3A_3 to %scan3A_5 step %scan3A_6  : i32 {
      %mul3A_9 = arith.constant 1250 : i32
      %mul3A_10 = arith.muli %scan3A_8, %mul3A_9 : i32
      %add3A_11 = arith.addi %mul3A_2, %mul3A_10 : i32
      "tpu.region"() ({
        %run_scoped3A = tpu.sem_alloc : memref<!tpu.dma_semaphore, #tpu.memory_space<semaphore_mem>>
        %dma_start3A = arith.constant 0 : i32
        %dma_start3A_18 = tpu.memref_slice %arg2[%add3A_11, %dma_start3A] : memref<1000000x64xbf16, #tpu.memory_space<hbm>> -> memref<1250x64xbf16, #tpu.memory_space<hbm>>
        %dma_start3A_19 = arith.constant 0 : i32
        %dma_start3A_20 = tpu.memref_slice %arg2[%add3A_11, %dma_start3A_19] : memref<1000000x64xbf16, #tpu.memory_space<hbm>> -> memref<1250x64xbf16, #tpu.memory_space<hbm>>
        tpu.enqueue_dma source(%dma_start3A_20 : memref<1250x64xbf16, #tpu.memory_space<hbm>>) target(%arg4 : memref<1250x64xbf16, #tpu.memory_space<vmem>>) target_semaphore(%run_scoped3A : memref<!tpu.dma_semaphore, #tpu.memory_space<semaphore_mem>>)
        %dma_wait3A = arith.constant 0 : i32
        %dma_wait3A_21 = tpu.memref_slice %arg2[%add3A_11, %dma_wait3A] : memref<1000000x64xbf16, #tpu.memory_space<hbm>> -> memref<1250x64xbf16, #tpu.memory_space<hbm>>
        %dma_wait3A_22 = arith.constant 0 : i32
        %dma_wait3A_23 = tpu.memref_slice %arg2[%add3A_11, %dma_wait3A_22] : memref<1000000x64xbf16, #tpu.memory_space<hbm>> -> memref<1250x64xbf16, #tpu.memory_space<hbm>>
        tpu.wait_dma2 semaphore(%run_scoped3A : memref<!tpu.dma_semaphore, #tpu.memory_space<semaphore_mem>>) src(%dma_wait3A_23 : memref<1250x64xbf16, #tpu.memory_space<hbm>>) dst(%arg4 : memref<1250x64xbf16, #tpu.memory_space<vmem>>)
        tpu.yield
      }) : () -> ()
      %scan3A_12 = arith.constant 0 : i32
      %scan3A_13 = arith.constant 0 : i32
      %scan3A_14 = arith.constant 625 : i32
      %scan3A_15 = arith.addi %scan3A_13, %scan3A_14 : i32
      %scan3A_16 = arith.constant 1 : i32
      scf.for %scan3A_18 = %scan3A_13 to %scan3A_15 step %scan3A_16  : i32 {
        %mul3A_19 = arith.constant 2 : i32
        %mul3A_20 = arith.muli %mul3A_19, %scan3A_18 : i32
        %add3A_21 = arith.constant 0 : i32
        %add3A_22 = arith.addi %mul3A_20, %add3A_21 : i32
        %get3A = arith.index_cast %add3A_22 : i32 to index
        %get3A_23 = arith.constant 0 : index
        %get3A_24 = tpu.vector_load %arg4[%get3A, %get3A_23] {strides = array<i32>} : memref<1250x64xbf16, #tpu.memory_space<vmem>>, vector<32xbf16>,
        %bitcast3A = vector.bitcast %get3A_24 : vector<32xbf16> to vector<16xi32>
        %mul3A_25 = arith.constant 2 : i32
        %mul3A_26 = arith.muli %mul3A_25, %scan3A_18 : i32
        %add3A_27 = arith.constant 0 : i32
        %add3A_28 = arith.addi %mul3A_26, %add3A_27 : i32
        %swap3A = arith.index_cast %add3A_28 : i32 to index
        %swap3A_29 = arith.constant 0 : index
        %swap3A_30 = tpu.vector_load %arg5[%swap3A, %swap3A_29] {strides = array<i32>} : memref<1250x32xi32, #tpu.memory_space<vmem>>, vector<16xi32>,
        tpu.vector_store %arg5[%swap3A, %swap3A_29], %bitcast3A {strides = array<i32>} : memref<1250x32xi32, #tpu.memory_space<vmem>>, vector<16xi32>,
        %mul3A_31 = arith.constant 2 : i32
        %mul3A_32 = arith.muli %mul3A_31, %scan3A_18 : i32
        %add3A_33 = arith.constant 0 : i32
        %add3A_34 = arith.addi %mul3A_32, %add3A_33 : i32
        %get3A_35 = arith.index_cast %add3A_34 : i32 to index
        %get3A_36 = arith.constant 32 : index
        %get3A_37 = tpu.vector_load %arg4[%get3A_35, %get3A_36] {strides = array<i32>} : memref<1250x64xbf16, #tpu.memory_space<vmem>>, vector<32xbf16>,
        %bitcast3A_38 = vector.bitcast %get3A_37 : vector<32xbf16> to vector<16xi32>
        %mul3A_39 = arith.constant 2 : i32
        %mul3A_40 = arith.muli %mul3A_39, %scan3A_18 : i32
        %add3A_41 = arith.constant 0 : i32
        %add3A_42 = arith.addi %mul3A_40, %add3A_41 : i32
        %swap3A_43 = arith.index_cast %add3A_42 : i32 to index
        %swap3A_44 = arith.constant 16 : index
        %swap3A_45 = tpu.vector_load %arg5[%swap3A_43, %swap3A_44] {strides = array<i32>} : memref<1250x32xi32, #tpu.memory_space<vmem>>, vector<16xi32>,
        tpu.vector_store %arg5[%swap3A_43, %swap3A_44], %bitcast3A_38 {strides = array<i32>} : memref<1250x32xi32, #tpu.memory_space<vmem>>, vector<16xi32>,
        %mul3A_46 = arith.constant 2 : i32
        %mul3A_47 = arith.muli %mul3A_46, %scan3A_18 : i32
        %add3A_48 = arith.constant 1 : i32
        %add3A_49 = arith.addi %mul3A_47, %add3A_48 : i32
        %get3A_50 = arith.index_cast %add3A_49 : i32 to index
        %get3A_51 = arith.constant 0 : index
        %get3A_52 = tpu.vector_load %arg4[%get3A_50, %get3A_51] {strides = array<i32>} : memref<1250x64xbf16, #tpu.memory_space<vmem>>, vector<32xbf16>,
        %bitcast3A_53 = vector.bitcast %get3A_52 : vector<32xbf16> to vector<16xi32>
        %mul3A_54 = arith.constant 2 : i32
        %mul3A_55 = arith.muli %mul3A_54, %scan3A_18 : i32
        %add3A_56 = arith.constant 1 : i32
        %add3A_57 = arith.addi %mul3A_55, %add3A_56 : i32
        %swap3A_58 = arith.index_cast %add3A_57 : i32 to index
        %swap3A_59 = arith.constant 0 : index
        %swap3A_60 = tpu.vector_load %arg5[%swap3A_58, %swap3A_59] {strides = array<i32>} : memref<1250x32xi32, #tpu.memory_space<vmem>>, vector<16xi32>,
        tpu.vector_store %arg5[%swap3A_58, %swap3A_59], %bitcast3A_53 {strides = array<i32>} : memref<1250x32xi32, #tpu.memory_space<vmem>>, vector<16xi32>,
        %mul3A_61 = arith.constant 2 : i32
        %mul3A_62 = arith.muli %mul3A_61, %scan3A_18 : i32
        %add3A_63 = arith.constant 1 : i32
        %add3A_64 = arith.addi %mul3A_62, %add3A_63 : i32
        %get3A_65 = arith.index_cast %add3A_64 : i32 to index
        %get3A_66 = arith.constant 32 : index
        %get3A_67 = tpu.vector_load %arg4[%get3A_65, %get3A_66] {strides = array<i32>} : memref<1250x64xbf16, #tpu.memory_space<vmem>>, vector<32xbf16>,
        %bitcast3A_68 = vector.bitcast %get3A_67 : vector<32xbf16> to vector<16xi32>
        %mul3A_69 = arith.constant 2 : i32
        %mul3A_70 = arith.muli %mul3A_69, %scan3A_18 : i32
        %add3A_71 = arith.constant 1 : i32
        %add3A_72 = arith.addi %mul3A_70, %add3A_71 : i32
        %swap3A_73 = arith.index_cast %add3A_72 : i32 to index
        %swap3A_74 = arith.constant 16 : index
        %swap3A_75 = tpu.vector_load %arg5[%swap3A_73, %swap3A_74] {strides = array<i32>} : memref<1250x32xi32, #tpu.memory_space<vmem>>, vector<16xi32>,
        tpu.vector_store %arg5[%swap3A_73, %swap3A_74], %bitcast3A_68 {strides = array<i32>} : memref<1250x32xi32, #tpu.memory_space<vmem>>, vector<16xi32>,
      }
      %scan3A_17 = arith.constant 625 : i32
      "tpu.region"() ({
        %run_scoped3A = tpu.sem_alloc : memref<!tpu.dma_semaphore, #tpu.memory_space<semaphore_mem>>
        %dma_start3A = arith.constant 0 : i32
        %dma_start3A_18 = tpu.memref_slice %arg3[%add3A_11, %dma_start3A] : memref<1000000x32xi32, #tpu.memory_space<hbm>> -> memref<1250x32xi32, #tpu.memory_space<hbm>>
        %dma_start3A_19 = arith.constant 0 : i32
        %dma_start3A_20 = tpu.memref_slice %arg3[%add3A_11, %dma_start3A_19] : memref<1000000x32xi32, #tpu.memory_space<hbm>> -> memref<1250x32xi32, #tpu.memory_space<hbm>>
        tpu.enqueue_dma source(%arg5 : memref<1250x32xi32, #tpu.memory_space<vmem>>) target(%dma_start3A_20 : memref<1250x32xi32, #tpu.memory_space<hbm>>) target_semaphore(%run_scoped3A : memref<!tpu.dma_semaphore, #tpu.memory_space<semaphore_mem>>)
        %dma_wait3A = arith.constant 0 : i32
        %dma_wait3A_21 = tpu.memref_slice %arg3[%add3A_11, %dma_wait3A] : memref<1000000x32xi32, #tpu.memory_space<hbm>> -> memref<1250x32xi32, #tpu.memory_space<hbm>>
        %dma_wait3A_22 = arith.constant 0 : i32
        %dma_wait3A_23 = tpu.memref_slice %arg3[%add3A_11, %dma_wait3A_22] : memref<1000000x32xi32, #tpu.memory_space<hbm>> -> memref<1250x32xi32, #tpu.memory_space<hbm>>
        tpu.wait_dma2 semaphore(%run_scoped3A : memref<!tpu.dma_semaphore, #tpu.memory_space<semaphore_mem>>) src(%arg5 : memref<1250x32xi32, #tpu.memory_space<vmem>>) dst(%dma_wait3A_23 : memref<1250x32xi32, #tpu.memory_space<hbm>>)
        tpu.yield
      }) : () -> ()
    }
    %scan3A_7 = arith.constant 25 : i32
    return
  }
}

#map = affine_map<(d0, d1) -> (0, 0)>
#map1 = affine_map<(d0, d1) -> (0)>
module attributes {stable_mosaic.version = 14 : i64} {
  func.func @k2(%arg0: i32, %arg1: i32, %arg2: memref<1000000x32xi32, #tpu.memory_space<hbm>>, %arg3: memref<819200xi32, #tpu.memory_space<hbm>>, %arg4: memref<819200x64xbf16, #tpu.memory_space<hbm>>, %arg5: memref<25600xi32, #tpu.memory_space<vmem>>, %arg6: memref<2x800x32xi32, #tpu.memory_space<vmem>>, %arg7: memref<800x64xbf16, #tpu.memory_space<vmem>>, %arg8: memref<2x!tpu.dma_semaphore, #tpu.memory_space<semaphore_mem>>) attributes {dimension_semantics = [#tpu.dimension_semantics<core_parallel>, #tpu.dimension_semantics<subcore_parallel>], iteration_bounds = array<i64: 2, 16>, scalar_prefetch = 0 : i64, scratch_operands = 4 : i64, tpu.core_type = #tpu.core_type<sc_vector_subcore>, window_params = [{transform_indices = #map}, {transform_indices = #map1}, {transform_indices = #map}]} {
    %mul3A = arith.constant 2 : i32
    %mul3A_0 = arith.muli %arg1, %mul3A : i32
    %add3A = arith.addi %mul3A_0, %arg0 : i32
    %mul3A_1 = arith.constant 25600 : i32
    %mul3A_2 = arith.muli %add3A, %mul3A_1 : i32
    "tpu.region"() ({
      %run_scoped3A = tpu.sem_alloc : memref<!tpu.dma_semaphore, #tpu.memory_space<semaphore_mem>>
      %dma_start3A_33 = tpu.memref_slice %arg3[%mul3A_2] : memref<819200xi32, #tpu.memory_space<hbm>> -> memref<25600xi32, #tpu.memory_space<hbm>>
      %dma_start3A_34 = tpu.memref_slice %arg3[%mul3A_2] : memref<819200xi32, #tpu.memory_space<hbm>> -> memref<25600xi32, #tpu.memory_space<hbm>>
      tpu.enqueue_dma source(%dma_start3A_34 : memref<25600xi32, #tpu.memory_space<hbm>>) target(%arg5 : memref<25600xi32, #tpu.memory_space<vmem>>) target_semaphore(%run_scoped3A : memref<!tpu.dma_semaphore, #tpu.memory_space<semaphore_mem>>)
      %dma_wait3A = tpu.memref_slice %arg3[%mul3A_2] : memref<819200xi32, #tpu.memory_space<hbm>> -> memref<25600xi32, #tpu.memory_space<hbm>>
      %dma_wait3A_35 = tpu.memref_slice %arg3[%mul3A_2] : memref<819200xi32, #tpu.memory_space<hbm>> -> memref<25600xi32, #tpu.memory_space<hbm>>
      tpu.wait_dma2 semaphore(%run_scoped3A : memref<!tpu.dma_semaphore, #tpu.memory_space<semaphore_mem>>) src(%dma_wait3A_35 : memref<25600xi32, #tpu.memory_space<hbm>>) dst(%arg5 : memref<25600xi32, #tpu.memory_space<vmem>>)
      tpu.yield
    }) : () -> ()
    %dma_start3A = arith.constant 0 : i32
    %dma_start3A_3 = arith.constant 0 : i32
    %dma_start3A_4 = arith.constant 0 : i32
    %dma_start3A_5 = arith.constant 0 : i32
    %dma_start3A_6 = tpu.memref_slice %arg6[%dma_start3A, %dma_start3A_4, %dma_start3A_5] : memref<2x800x32xi32, #tpu.memory_space<vmem>> -> memref<1x800x32xi32, #tpu.memory_space<vmem>>
    %dma_start3A_7 = tpu.memref_squeeze %dma_start3A_6 : memref<1x800x32xi32, #tpu.memory_space<vmem>> -> memref<800x32xi32, #tpu.memory_space<vmem>>
    %dma_start3A_8 = arith.constant 0 : i32
    %dma_start3A_9 = tpu.memref_slice %arg5[%dma_start3A_8] : memref<25600xi32, #tpu.memory_space<vmem>> -> memref<800xi32, #tpu.memory_space<vmem>>
    %dma_start3A_10 = arith.constant 0 : i32
    %dma_start3A_11 = arith.constant 0 : i32
    %dma_start3A_12 = tpu.memref_slice %arg2[%dma_start3A_10, %dma_start3A_11] : memref<1000000x32xi32, #tpu.memory_space<hbm>> -> memref<1000000x32xi32, #tpu.memory_space<hbm>>
    %dma_start3A_13 = tpu.memref_slice %arg8[%dma_start3A_3] : memref<2x!tpu.dma_semaphore, #tpu.memory_space<semaphore_mem>> -> memref<1x!tpu.dma_semaphore, #tpu.memory_space<semaphore_mem>>
    %dma_start3A_14 = tpu.memref_squeeze %dma_start3A_13 : memref<1x!tpu.dma_semaphore, #tpu.memory_space<semaphore_mem>> -> memref<!tpu.dma_semaphore, #tpu.memory_space<semaphore_mem>>
    tpu.enqueue_indirect_dma source(%dma_start3A_12 : memref<1000000x32xi32, #tpu.memory_space<hbm>>) target(%dma_start3A_7 : memref<800x32xi32, #tpu.memory_space<vmem>>) offsets(%dma_start3A_9 : memref<800xi32, #tpu.memory_space<vmem>>) semaphore(%dma_start3A_14 : memref<!tpu.dma_semaphore, #tpu.memory_space<semaphore_mem>>)
    %dma_start3A_15 = arith.constant 1 : i32
    %dma_start3A_16 = arith.constant 1 : i32
    %dma_start3A_17 = arith.constant 0 : i32
    %dma_start3A_18 = arith.constant 0 : i32
    %dma_start3A_19 = tpu.memref_slice %arg6[%dma_start3A_15, %dma_start3A_17, %dma_start3A_18] : memref<2x800x32xi32, #tpu.memory_space<vmem>> -> memref<1x800x32xi32, #tpu.memory_space<vmem>>
    %dma_start3A_20 = tpu.memref_squeeze %dma_start3A_19 : memref<1x800x32xi32, #tpu.memory_space<vmem>> -> memref<800x32xi32, #tpu.memory_space<vmem>>
    %dma_start3A_21 = arith.constant 800 : i32
    %dma_start3A_22 = tpu.memref_slice %arg5[%dma_start3A_21] : memref<25600xi32, #tpu.memory_space<vmem>> -> memref<800xi32, #tpu.memory_space<vmem>>
    %dma_start3A_23 = arith.constant 0 : i32
    %dma_start3A_24 = arith.constant 0 : i32
    %dma_start3A_25 = tpu.memref_slice %arg2[%dma_start3A_23, %dma_start3A_24] : memref<1000000x32xi32, #tpu.memory_space<hbm>> -> memref<1000000x32xi32, #tpu.memory_space<hbm>>
    %dma_start3A_26 = tpu.memref_slice %arg8[%dma_start3A_16] : memref<2x!tpu.dma_semaphore, #tpu.memory_space<semaphore_mem>> -> memref<1x!tpu.dma_semaphore, #tpu.memory_space<semaphore_mem>>
    %dma_start3A_27 = tpu.memref_squeeze %dma_start3A_26 : memref<1x!tpu.dma_semaphore, #tpu.memory_space<semaphore_mem>> -> memref<!tpu.dma_semaphore, #tpu.memory_space<semaphore_mem>>
    tpu.enqueue_indirect_dma source(%dma_start3A_25 : memref<1000000x32xi32, #tpu.memory_space<hbm>>) target(%dma_start3A_20 : memref<800x32xi32, #tpu.memory_space<vmem>>) offsets(%dma_start3A_22 : memref<800xi32, #tpu.memory_space<vmem>>) semaphore(%dma_start3A_27 : memref<!tpu.dma_semaphore, #tpu.memory_space<semaphore_mem>>)
    %scan3A = arith.constant 0 : i32
    %scan3A_28 = arith.constant 0 : i32
    %scan3A_29 = arith.constant 16 : i32
    %scan3A_30 = arith.addi %scan3A_28, %scan3A_29 : i32
    %scan3A_31 = arith.constant 1 : i32
    scf.for %scan3A_33 = %scan3A_28 to %scan3A_30 step %scan3A_31  : i32 {
      %mul3A_34 = arith.constant 2 : i32
      %mul3A_35 = arith.muli %scan3A_33, %mul3A_34 : i32
      %add3A_36 = arith.constant 0 : i32
      %add3A_37 = arith.addi %mul3A_35, %add3A_36 : i32
      %dma_wait3A = arith.constant 0 : i32
      %dma_wait3A_38 = arith.constant 0 : i32
      %dma_wait3A_39 = arith.constant 0 : i32
      %dma_wait3A_40 = arith.constant 0 : i32
      %dma_wait3A_41 = tpu.memref_slice %arg6[%dma_wait3A, %dma_wait3A_39, %dma_wait3A_40] : memref<2x800x32xi32, #tpu.memory_space<vmem>> -> memref<1x800x32xi32, #tpu.memory_space<vmem>>
      %dma_wait3A_42 = tpu.memref_squeeze %dma_wait3A_41 : memref<1x800x32xi32, #tpu.memory_space<vmem>> -> memref<800x32xi32, #tpu.memory_space<vmem>>
      %dma_wait3A_43 = arith.constant 0 : i32
      %dma_wait3A_44 = tpu.memref_slice %arg5[%dma_wait3A_43] : memref<25600xi32, #tpu.memory_space<vmem>> -> memref<800xi32, #tpu.memory_space<vmem>>
      %dma_wait3A_45 = arith.constant 0 : i32
      %dma_wait3A_46 = arith.constant 0 : i32
      %dma_wait3A_47 = tpu.memref_slice %arg2[%dma_wait3A_45, %dma_wait3A_46] : memref<1000000x32xi32, #tpu.memory_space<hbm>> -> memref<1000000x32xi32, #tpu.memory_space<hbm>>
      %dma_wait3A_48 = tpu.memref_slice %arg8[%dma_wait3A_38] : memref<2x!tpu.dma_semaphore, #tpu.memory_space<semaphore_mem>> -> memref<1x!tpu.dma_semaphore, #tpu.memory_space<semaphore_mem>>
      %dma_wait3A_49 = tpu.memref_squeeze %dma_wait3A_48 : memref<1x!tpu.dma_semaphore, #tpu.memory_space<semaphore_mem>> -> memref<!tpu.dma_semaphore, #tpu.memory_space<semaphore_mem>>
      tpu.wait_indirect_dma semaphore(%dma_wait3A_49 : memref<!tpu.dma_semaphore, #tpu.memory_space<semaphore_mem>>) src(%dma_wait3A_47 : memref<1000000x32xi32, #tpu.memory_space<hbm>>) dst(%dma_wait3A_42 : memref<800x32xi32, #tpu.memory_space<vmem>>)
      %scan3A_50 = arith.constant 0 : i32
      %scan3A_51 = arith.constant 0 : i32
      %scan3A_52 = arith.constant 400 : i32
      %scan3A_53 = arith.addi %scan3A_51, %scan3A_52 : i32
      %scan3A_54 = arith.constant 1 : i32
      scf.for %scan3A_96 = %scan3A_51 to %scan3A_53 step %scan3A_54  : i32 {
        %mul3A_97 = arith.constant 2 : i32
        %mul3A_98 = arith.muli %mul3A_97, %scan3A_96 : i32
        %add3A_99 = arith.constant 0 : i32
        %add3A_100 = arith.addi %mul3A_98, %add3A_99 : i32
        %get3A = arith.constant 0 : i32
        %get3A_101 = arith.index_cast %get3A : i32 to index
        %get3A_102 = arith.index_cast %add3A_100 : i32 to index
        %get3A_103 = arith.constant 0 : index
        %get3A_104 = tpu.vector_load %arg6[%get3A_101, %get3A_102, %get3A_103] {strides = array<i32>} : memref<2x800x32xi32, #tpu.memory_space<vmem>>, vector<16xi32>,
        %bitcast3A = vector.bitcast %get3A_104 : vector<16xi32> to vector<32xbf16>
        %mul3A_105 = arith.constant 2 : i32
        %mul3A_106 = arith.muli %mul3A_105, %scan3A_96 : i32
        %add3A_107 = arith.constant 0 : i32
        %add3A_108 = arith.addi %mul3A_106, %add3A_107 : i32
        %swap3A = arith.index_cast %add3A_108 : i32 to index
        %swap3A_109 = arith.constant 0 : index
        %swap3A_110 = tpu.vector_load %arg7[%swap3A, %swap3A_109] {strides = array<i32>} : memref<800x64xbf16, #tpu.memory_space<vmem>>, vector<32xbf16>,
        tpu.vector_store %arg7[%swap3A, %swap3A_109], %bitcast3A {strides = array<i32>} : memref<800x64xbf16, #tpu.memory_space<vmem>>, vector<32xbf16>,
        %mul3A_111 = arith.constant 2 : i32
        %mul3A_112 = arith.muli %mul3A_111, %scan3A_96 : i32
        %add3A_113 = arith.constant 0 : i32
        %add3A_114 = arith.addi %mul3A_112, %add3A_113 : i32
        %get3A_115 = arith.constant 0 : i32
        %get3A_116 = arith.index_cast %get3A_115 : i32 to index
        %get3A_117 = arith.index_cast %add3A_114 : i32 to index
        %get3A_118 = arith.constant 16 : index
        %get3A_119 = tpu.vector_load %arg6[%get3A_116, %get3A_117, %get3A_118] {strides = array<i32>} : memref<2x800x32xi32, #tpu.memory_space<vmem>>, vector<16xi32>,
        %bitcast3A_120 = vector.bitcast %get3A_119 : vector<16xi32> to vector<32xbf16>
        %mul3A_121 = arith.constant 2 : i32
        %mul3A_122 = arith.muli %mul3A_121, %scan3A_96 : i32
        %add3A_123 = arith.constant 0 : i32
        %add3A_124 = arith.addi %mul3A_122, %add3A_123 : i32
        %swap3A_125 = arith.index_cast %add3A_124 : i32 to index
        %swap3A_126 = arith.constant 32 : index
        %swap3A_127 = tpu.vector_load %arg7[%swap3A_125, %swap3A_126] {strides = array<i32>} : memref<800x64xbf16, #tpu.memory_space<vmem>>, vector<32xbf16>,
        tpu.vector_store %arg7[%swap3A_125, %swap3A_126], %bitcast3A_120 {strides = array<i32>} : memref<800x64xbf16, #tpu.memory_space<vmem>>, vector<32xbf16>,
        %mul3A_128 = arith.constant 2 : i32
        %mul3A_129 = arith.muli %mul3A_128, %scan3A_96 : i32
        %add3A_130 = arith.constant 1 : i32
        %add3A_131 = arith.addi %mul3A_129, %add3A_130 : i32
        %get3A_132 = arith.constant 0 : i32
        %get3A_133 = arith.index_cast %get3A_132 : i32 to index
        %get3A_134 = arith.index_cast %add3A_131 : i32 to index
        %get3A_135 = arith.constant 0 : index
        %get3A_136 = tpu.vector_load %arg6[%get3A_133, %get3A_134, %get3A_135] {strides = array<i32>} : memref<2x800x32xi32, #tpu.memory_space<vmem>>, vector<16xi32>,
        %bitcast3A_137 = vector.bitcast %get3A_136 : vector<16xi32> to vector<32xbf16>
        %mul3A_138 = arith.constant 2 : i32
        %mul3A_139 = arith.muli %mul3A_138, %scan3A_96 : i32
        %add3A_140 = arith.constant 1 : i32
        %add3A_141 = arith.addi %mul3A_139, %add3A_140 : i32
        %swap3A_142 = arith.index_cast %add3A_141 : i32 to index
        %swap3A_143 = arith.constant 0 : index
        %swap3A_144 = tpu.vector_load %arg7[%swap3A_142, %swap3A_143] {strides = array<i32>} : memref<800x64xbf16, #tpu.memory_space<vmem>>, vector<32xbf16>,
        tpu.vector_store %arg7[%swap3A_142, %swap3A_143], %bitcast3A_137 {strides = array<i32>} : memref<800x64xbf16, #tpu.memory_space<vmem>>, vector<32xbf16>,
        %mul3A_145 = arith.constant 2 : i32
        %mul3A_146 = arith.muli %mul3A_145, %scan3A_96 : i32
        %add3A_147 = arith.constant 1 : i32
        %add3A_148 = arith.addi %mul3A_146, %add3A_147 : i32
        %get3A_149 = arith.constant 0 : i32
        %get3A_150 = arith.index_cast %get3A_149 : i32 to index
        %get3A_151 = arith.index_cast %add3A_148 : i32 to index
        %get3A_152 = arith.constant 16 : index
        %get3A_153 = tpu.vector_load %arg6[%get3A_150, %get3A_151, %get3A_152] {strides = array<i32>} : memref<2x800x32xi32, #tpu.memory_space<vmem>>, vector<16xi32>,
        %bitcast3A_154 = vector.bitcast %get3A_153 : vector<16xi32> to vector<32xbf16>
        %mul3A_155 = arith.constant 2 : i32
        %mul3A_156 = arith.muli %mul3A_155, %scan3A_96 : i32
        %add3A_157 = arith.constant 1 : i32
        %add3A_158 = arith.addi %mul3A_156, %add3A_157 : i32
        %swap3A_159 = arith.index_cast %add3A_158 : i32 to index
        %swap3A_160 = arith.constant 32 : index
        %swap3A_161 = tpu.vector_load %arg7[%swap3A_159, %swap3A_160] {strides = array<i32>} : memref<800x64xbf16, #tpu.memory_space<vmem>>, vector<32xbf16>,
        tpu.vector_store %arg7[%swap3A_159, %swap3A_160], %bitcast3A_154 {strides = array<i32>} : memref<800x64xbf16, #tpu.memory_space<vmem>>, vector<32xbf16>,
      }
      %scan3A_55 = arith.constant 400 : i32
      %mul3A_56 = arith.constant 800 : i32
      %mul3A_57 = arith.muli %add3A_37, %mul3A_56 : i32
      %add3A_58 = arith.addi %mul3A_2, %mul3A_57 : i32
      "tpu.region"() ({
        %run_scoped3A = tpu.sem_alloc : memref<!tpu.dma_semaphore, #tpu.memory_space<semaphore_mem>>
        %dma_start3A_96 = arith.constant 0 : i32
        %dma_start3A_97 = tpu.memref_slice %arg4[%add3A_58, %dma_start3A_96] : memref<819200x64xbf16, #tpu.memory_space<hbm>> -> memref<800x64xbf16, #tpu.memory_space<hbm>>
        %dma_start3A_98 = arith.constant 0 : i32
        %dma_start3A_99 = tpu.memref_slice %arg4[%add3A_58, %dma_start3A_98] : memref<819200x64xbf16, #tpu.memory_space<hbm>> -> memref<800x64xbf16, #tpu.memory_space<hbm>>
        tpu.enqueue_dma source(%arg7 : memref<800x64xbf16, #tpu.memory_space<vmem>>) target(%dma_start3A_99 : memref<800x64xbf16, #tpu.memory_space<hbm>>) target_semaphore(%run_scoped3A : memref<!tpu.dma_semaphore, #tpu.memory_space<semaphore_mem>>)
        %dma_wait3A_100 = arith.constant 0 : i32
        %dma_wait3A_101 = tpu.memref_slice %arg4[%add3A_58, %dma_wait3A_100] : memref<819200x64xbf16, #tpu.memory_space<hbm>> -> memref<800x64xbf16, #tpu.memory_space<hbm>>
        %dma_wait3A_102 = arith.constant 0 : i32
        %dma_wait3A_103 = tpu.memref_slice %arg4[%add3A_58, %dma_wait3A_102] : memref<819200x64xbf16, #tpu.memory_space<hbm>> -> memref<800x64xbf16, #tpu.memory_space<hbm>>
        tpu.wait_dma2 semaphore(%run_scoped3A : memref<!tpu.dma_semaphore, #tpu.memory_space<semaphore_mem>>) src(%arg7 : memref<800x64xbf16, #tpu.memory_space<vmem>>) dst(%dma_wait3A_103 : memref<800x64xbf16, #tpu.memory_space<hbm>>)
        tpu.yield
      }) : () -> ()
      %add3A_59 = arith.constant 2 : i32
      %add3A_60 = arith.addi %add3A_37, %add3A_59 : i32
      %lt3A = arith.constant 32 : i32
      %lt3A_61 = arith.cmpi slt, %add3A_60, %lt3A : i32
      %convert_element_type3A = arith.extui %lt3A_61 : i1 to i32
      %cond3A = arith.constant 0 : i32
      %cond3A_62 = arith.cmpi ne, %convert_element_type3A, %cond3A : i32
      scf.if %cond3A_62 {
        %add3A_96 = arith.constant 2 : i32
        %add3A_97 = arith.addi %add3A_37, %add3A_96 : i32
        %mul3A_98 = arith.constant 800 : i32
        %mul3A_99 = arith.muli %add3A_97, %mul3A_98 : i32
        %dma_start3A_100 = arith.constant 0 : i32
        %dma_start3A_101 = arith.constant 0 : i32
        %dma_start3A_102 = arith.constant 0 : i32
        %dma_start3A_103 = arith.constant 0 : i32
        %dma_start3A_104 = tpu.memref_slice %arg6[%dma_start3A_100, %dma_start3A_102, %dma_start3A_103] : memref<2x800x32xi32, #tpu.memory_space<vmem>> -> memref<1x800x32xi32, #tpu.memory_space<vmem>>
        %dma_start3A_105 = tpu.memref_squeeze %dma_start3A_104 : memref<1x800x32xi32, #tpu.memory_space<vmem>> -> memref<800x32xi32, #tpu.memory_space<vmem>>
        %dma_start3A_106 = tpu.memref_slice %arg5[%mul3A_99] : memref<25600xi32, #tpu.memory_space<vmem>> -> memref<800xi32, #tpu.memory_space<vmem>>
        %dma_start3A_107 = arith.constant 0 : i32
        %dma_start3A_108 = arith.constant 0 : i32
        %dma_start3A_109 = tpu.memref_slice %arg2[%dma_start3A_107, %dma_start3A_108] : memref<1000000x32xi32, #tpu.memory_space<hbm>> -> memref<1000000x32xi32, #tpu.memory_space<hbm>>
        %dma_start3A_110 = tpu.memref_slice %arg8[%dma_start3A_101] : memref<2x!tpu.dma_semaphore, #tpu.memory_space<semaphore_mem>> -> memref<1x!tpu.dma_semaphore, #tpu.memory_space<semaphore_mem>>
        %dma_start3A_111 = tpu.memref_squeeze %dma_start3A_110 : memref<1x!tpu.dma_semaphore, #tpu.memory_space<semaphore_mem>> -> memref<!tpu.dma_semaphore, #tpu.memory_space<semaphore_mem>>
        tpu.enqueue_indirect_dma source(%dma_start3A_109 : memref<1000000x32xi32, #tpu.memory_space<hbm>>) target(%dma_start3A_105 : memref<800x32xi32, #tpu.memory_space<vmem>>) offsets(%dma_start3A_106 : memref<800xi32, #tpu.memory_space<vmem>>) semaphore(%dma_start3A_111 : memref<!tpu.dma_semaphore, #tpu.memory_space<semaphore_mem>>)
      } else {
      }
      %mul3A_63 = arith.constant 2 : i32
      %mul3A_64 = arith.muli %scan3A_33, %mul3A_63 : i32
      %add3A_65 = arith.constant 1 : i32
      %add3A_66 = arith.addi %mul3A_64, %add3A_65 : i32
      %dma_wait3A_67 = arith.constant 1 : i32
      %dma_wait3A_68 = arith.constant 1 : i32
      %dma_wait3A_69 = arith.constant 0 : i32
      %dma_wait3A_70 = arith.constant 0 : i32
      %dma_wait3A_71 = tpu.memref_slice %arg6[%dma_wait3A_67, %dma_wait3A_69, %dma_wait3A_70] : memref<2x800x32xi32, #tpu.memory_space<vmem>> -> memref<1x800x32xi32, #tpu.memory_space<vmem>>
      %dma_wait3A_72 = tpu.memref_squeeze %dma_wait3A_71 : memref<1x800x32xi32, #tpu.memory_space<vmem>> -> memref<800x32xi32, #tpu.memory_space<vmem>>
      %dma_wait3A_73 = arith.constant 0 : i32
      %dma_wait3A_74 = tpu.memref_slice %arg5[%dma_wait3A_73] : memref<25600xi32, #tpu.memory_space<vmem>> -> memref<800xi32, #tpu.memory_space<vmem>>
      %dma_wait3A_75 = arith.constant 0 : i32
      %dma_wait3A_76 = arith.constant 0 : i32
      %dma_wait3A_77 = tpu.memref_slice %arg2[%dma_wait3A_75, %dma_wait3A_76] : memref<1000000x32xi32, #tpu.memory_space<hbm>> -> memref<1000000x32xi32, #tpu.memory_space<hbm>>
      %dma_wait3A_78 = tpu.memref_slice %arg8[%dma_wait3A_68] : memref<2x!tpu.dma_semaphore, #tpu.memory_space<semaphore_mem>> -> memref<1x!tpu.dma_semaphore, #tpu.memory_space<semaphore_mem>>
      %dma_wait3A_79 = tpu.memref_squeeze %dma_wait3A_78 : memref<1x!tpu.dma_semaphore, #tpu.memory_space<semaphore_mem>> -> memref<!tpu.dma_semaphore, #tpu.memory_space<semaphore_mem>>
      tpu.wait_indirect_dma semaphore(%dma_wait3A_79 : memref<!tpu.dma_semaphore, #tpu.memory_space<semaphore_mem>>) src(%dma_wait3A_77 : memref<1000000x32xi32, #tpu.memory_space<hbm>>) dst(%dma_wait3A_72 : memref<800x32xi32, #tpu.memory_space<vmem>>)
      %scan3A_80 = arith.constant 0 : i32
      %scan3A_81 = arith.constant 0 : i32
      %scan3A_82 = arith.constant 400 : i32
      %scan3A_83 = arith.addi %scan3A_81, %scan3A_82 : i32
      %scan3A_84 = arith.constant 1 : i32
      scf.for %scan3A_96 = %scan3A_81 to %scan3A_83 step %scan3A_84  : i32 {
        %mul3A_97 = arith.constant 2 : i32
        %mul3A_98 = arith.muli %mul3A_97, %scan3A_96 : i32
        %add3A_99 = arith.constant 0 : i32
        %add3A_100 = arith.addi %mul3A_98, %add3A_99 : i32
        %get3A = arith.constant 1 : i32
        %get3A_101 = arith.index_cast %get3A : i32 to index
        %get3A_102 = arith.index_cast %add3A_100 : i32 to index
        %get3A_103 = arith.constant 0 : index
        %get3A_104 = tpu.vector_load %arg6[%get3A_101, %get3A_102, %get3A_103] {strides = array<i32>} : memref<2x800x32xi32, #tpu.memory_space<vmem>>, vector<16xi32>,
        %bitcast3A = vector.bitcast %get3A_104 : vector<16xi32> to vector<32xbf16>
        %mul3A_105 = arith.constant 2 : i32
        %mul3A_106 = arith.muli %mul3A_105, %scan3A_96 : i32
        %add3A_107 = arith.constant 0 : i32
        %add3A_108 = arith.addi %mul3A_106, %add3A_107 : i32
        %swap3A = arith.index_cast %add3A_108 : i32 to index
        %swap3A_109 = arith.constant 0 : index
        %swap3A_110 = tpu.vector_load %arg7[%swap3A, %swap3A_109] {strides = array<i32>} : memref<800x64xbf16, #tpu.memory_space<vmem>>, vector<32xbf16>,
        tpu.vector_store %arg7[%swap3A, %swap3A_109], %bitcast3A {strides = array<i32>} : memref<800x64xbf16, #tpu.memory_space<vmem>>, vector<32xbf16>,
        %mul3A_111 = arith.constant 2 : i32
        %mul3A_112 = arith.muli %mul3A_111, %scan3A_96 : i32
        %add3A_113 = arith.constant 0 : i32
        %add3A_114 = arith.addi %mul3A_112, %add3A_113 : i32
        %get3A_115 = arith.constant 1 : i32
        %get3A_116 = arith.index_cast %get3A_115 : i32 to index
        %get3A_117 = arith.index_cast %add3A_114 : i32 to index
        %get3A_118 = arith.constant 16 : index
        %get3A_119 = tpu.vector_load %arg6[%get3A_116, %get3A_117, %get3A_118] {strides = array<i32>} : memref<2x800x32xi32, #tpu.memory_space<vmem>>, vector<16xi32>,
        %bitcast3A_120 = vector.bitcast %get3A_119 : vector<16xi32> to vector<32xbf16>
        %mul3A_121 = arith.constant 2 : i32
        %mul3A_122 = arith.muli %mul3A_121, %scan3A_96 : i32
        %add3A_123 = arith.constant 0 : i32
        %add3A_124 = arith.addi %mul3A_122, %add3A_123 : i32
        %swap3A_125 = arith.index_cast %add3A_124 : i32 to index
        %swap3A_126 = arith.constant 32 : index
        %swap3A_127 = tpu.vector_load %arg7[%swap3A_125, %swap3A_126] {strides = array<i32>} : memref<800x64xbf16, #tpu.memory_space<vmem>>, vector<32xbf16>,
        tpu.vector_store %arg7[%swap3A_125, %swap3A_126], %bitcast3A_120 {strides = array<i32>} : memref<800x64xbf16, #tpu.memory_space<vmem>>, vector<32xbf16>,
        %mul3A_128 = arith.constant 2 : i32
        %mul3A_129 = arith.muli %mul3A_128, %scan3A_96 : i32
        %add3A_130 = arith.constant 1 : i32
        %add3A_131 = arith.addi %mul3A_129, %add3A_130 : i32
        %get3A_132 = arith.constant 1 : i32
        %get3A_133 = arith.index_cast %get3A_132 : i32 to index
        %get3A_134 = arith.index_cast %add3A_131 : i32 to index
        %get3A_135 = arith.constant 0 : index
        %get3A_136 = tpu.vector_load %arg6[%get3A_133, %get3A_134, %get3A_135] {strides = array<i32>} : memref<2x800x32xi32, #tpu.memory_space<vmem>>, vector<16xi32>,
        %bitcast3A_137 = vector.bitcast %get3A_136 : vector<16xi32> to vector<32xbf16>
        %mul3A_138 = arith.constant 2 : i32
        %mul3A_139 = arith.muli %mul3A_138, %scan3A_96 : i32
        %add3A_140 = arith.constant 1 : i32
        %add3A_141 = arith.addi %mul3A_139, %add3A_140 : i32
        %swap3A_142 = arith.index_cast %add3A_141 : i32 to index
        %swap3A_143 = arith.constant 0 : index
        %swap3A_144 = tpu.vector_load %arg7[%swap3A_142, %swap3A_143] {strides = array<i32>} : memref<800x64xbf16, #tpu.memory_space<vmem>>, vector<32xbf16>,
        tpu.vector_store %arg7[%swap3A_142, %swap3A_143], %bitcast3A_137 {strides = array<i32>} : memref<800x64xbf16, #tpu.memory_space<vmem>>, vector<32xbf16>,
        %mul3A_145 = arith.constant 2 : i32
        %mul3A_146 = arith.muli %mul3A_145, %scan3A_96 : i32
        %add3A_147 = arith.constant 1 : i32
        %add3A_148 = arith.addi %mul3A_146, %add3A_147 : i32
        %get3A_149 = arith.constant 1 : i32
        %get3A_150 = arith.index_cast %get3A_149 : i32 to index
        %get3A_151 = arith.index_cast %add3A_148 : i32 to index
        %get3A_152 = arith.constant 16 : index
        %get3A_153 = tpu.vector_load %arg6[%get3A_150, %get3A_151, %get3A_152] {strides = array<i32>} : memref<2x800x32xi32, #tpu.memory_space<vmem>>, vector<16xi32>,
        %bitcast3A_154 = vector.bitcast %get3A_153 : vector<16xi32> to vector<32xbf16>
        %mul3A_155 = arith.constant 2 : i32
        %mul3A_156 = arith.muli %mul3A_155, %scan3A_96 : i32
        %add3A_157 = arith.constant 1 : i32
        %add3A_158 = arith.addi %mul3A_156, %add3A_157 : i32
        %swap3A_159 = arith.index_cast %add3A_158 : i32 to index
        %swap3A_160 = arith.constant 32 : index
        %swap3A_161 = tpu.vector_load %arg7[%swap3A_159, %swap3A_160] {strides = array<i32>} : memref<800x64xbf16, #tpu.memory_space<vmem>>, vector<32xbf16>,
        tpu.vector_store %arg7[%swap3A_159, %swap3A_160], %bitcast3A_154 {strides = array<i32>} : memref<800x64xbf16, #tpu.memory_space<vmem>>, vector<32xbf16>,
      }
      %scan3A_85 = arith.constant 400 : i32
      %mul3A_86 = arith.constant 800 : i32
      %mul3A_87 = arith.muli %add3A_66, %mul3A_86 : i32
      %add3A_88 = arith.addi %mul3A_2, %mul3A_87 : i32
      "tpu.region"() ({
        %run_scoped3A = tpu.sem_alloc : memref<!tpu.dma_semaphore, #tpu.memory_space<semaphore_mem>>
        %dma_start3A_96 = arith.constant 0 : i32
        %dma_start3A_97 = tpu.memref_slice %arg4[%add3A_88, %dma_start3A_96] : memref<819200x64xbf16, #tpu.memory_space<hbm>> -> memref<800x64xbf16, #tpu.memory_space<hbm>>
        %dma_start3A_98 = arith.constant 0 : i32
        %dma_start3A_99 = tpu.memref_slice %arg4[%add3A_88, %dma_start3A_98] : memref<819200x64xbf16, #tpu.memory_space<hbm>> -> memref<800x64xbf16, #tpu.memory_space<hbm>>
        tpu.enqueue_dma source(%arg7 : memref<800x64xbf16, #tpu.memory_space<vmem>>) target(%dma_start3A_99 : memref<800x64xbf16, #tpu.memory_space<hbm>>) target_semaphore(%run_scoped3A : memref<!tpu.dma_semaphore, #tpu.memory_space<semaphore_mem>>)
        %dma_wait3A_100 = arith.constant 0 : i32
        %dma_wait3A_101 = tpu.memref_slice %arg4[%add3A_88, %dma_wait3A_100] : memref<819200x64xbf16, #tpu.memory_space<hbm>> -> memref<800x64xbf16, #tpu.memory_space<hbm>>
        %dma_wait3A_102 = arith.constant 0 : i32
        %dma_wait3A_103 = tpu.memref_slice %arg4[%add3A_88, %dma_wait3A_102] : memref<819200x64xbf16, #tpu.memory_space<hbm>> -> memref<800x64xbf16, #tpu.memory_space<hbm>>
        tpu.wait_dma2 semaphore(%run_scoped3A : memref<!tpu.dma_semaphore, #tpu.memory_space<semaphore_mem>>) src(%arg7 : memref<800x64xbf16, #tpu.memory_space<vmem>>) dst(%dma_wait3A_103 : memref<800x64xbf16, #tpu.memory_space<hbm>>)
        tpu.yield
      }) : () -> ()
      %add3A_89 = arith.constant 2 : i32
      %add3A_90 = arith.addi %add3A_66, %add3A_89 : i32
      %lt3A_91 = arith.constant 32 : i32
      %lt3A_92 = arith.cmpi slt, %add3A_90, %lt3A_91 : i32
      %convert_element_type3A_93 = arith.extui %lt3A_92 : i1 to i32
      %cond3A_94 = arith.constant 0 : i32
      %cond3A_95 = arith.cmpi ne, %convert_element_type3A_93, %cond3A_94 : i32
      scf.if %cond3A_95 {
        %add3A_96 = arith.constant 2 : i32
        %add3A_97 = arith.addi %add3A_66, %add3A_96 : i32
        %mul3A_98 = arith.constant 800 : i32
        %mul3A_99 = arith.muli %add3A_97, %mul3A_98 : i32
        %dma_start3A_100 = arith.constant 1 : i32
        %dma_start3A_101 = arith.constant 1 : i32
        %dma_start3A_102 = arith.constant 0 : i32
        %dma_start3A_103 = arith.constant 0 : i32
        %dma_start3A_104 = tpu.memref_slice %arg6[%dma_start3A_100, %dma_start3A_102, %dma_start3A_103] : memref<2x800x32xi32, #tpu.memory_space<vmem>> -> memref<1x800x32xi32, #tpu.memory_space<vmem>>
        %dma_start3A_105 = tpu.memref_squeeze %dma_start3A_104 : memref<1x800x32xi32, #tpu.memory_space<vmem>> -> memref<800x32xi32, #tpu.memory_space<vmem>>
        %dma_start3A_106 = tpu.memref_slice %arg5[%mul3A_99] : memref<25600xi32, #tpu.memory_space<vmem>> -> memref<800xi32, #tpu.memory_space<vmem>>
        %dma_start3A_107 = arith.constant 0 : i32
        %dma_start3A_108 = arith.constant 0 : i32
        %dma_start3A_109 = tpu.memref_slice %arg2[%dma_start3A_107, %dma_start3A_108] : memref<1000000x32xi32, #tpu.memory_space<hbm>> -> memref<1000000x32xi32, #tpu.memory_space<hbm>>
        %dma_start3A_110 = tpu.memref_slice %arg8[%dma_start3A_101] : memref<2x!tpu.dma_semaphore, #tpu.memory_space<semaphore_mem>> -> memref<1x!tpu.dma_semaphore, #tpu.memory_space<semaphore_mem>>
        %dma_start3A_111 = tpu.memref_squeeze %dma_start3A_110 : memref<1x!tpu.dma_semaphore, #tpu.memory_space<semaphore_mem>> -> memref<!tpu.dma_semaphore, #tpu.memory_space<semaphore_mem>>
        tpu.enqueue_indirect_dma source(%dma_start3A_109 : memref<1000000x32xi32, #tpu.memory_space<hbm>>) target(%dma_start3A_105 : memref<800x32xi32, #tpu.memory_space<vmem>>) offsets(%dma_start3A_106 : memref<800xi32, #tpu.memory_space<vmem>>) semaphore(%dma_start3A_111 : memref<!tpu.dma_semaphore, #tpu.memory_space<semaphore_mem>>)
      } else {
      }
    }
    %scan3A_32 = arith.constant 16 : i32
    return
  }
}

</mosaic_0001>

<sc_bundles>
// kernel: kernel.4.cloned.1.call-start
scs
__scs_entry_jumppad:
0x0: {  	(pc) =	sbr.rel $0x88, $3  }
0x1: {  	(tag) =	ssettag $0x0;
	lr =	simm.s32 $0x1  }
0x2: {  	[smem:$0x3F9F] =	sst lr;
	_ =	strace $0xD0000000  }
0x3: {  	_ = 	snop  }
0x4: {  	_ = 	snop  }
0x5: {  	_ = 	snop  }
0x6: {  	_ = 	snop  }
0x7: {  	_ = 	snop  }
__scs_overlays_trampoline_lowered:
0x8: {  	[smem:$0x3FAE] =	sst s0  }
0x9: {  	[smem:$0x3FAF] =	sst s1  }
0xa: {  	[smem:$0x3FB0] =	sst s2  }
0xb: {  	[smem:$0x3FB1] =	sst s3  }
0xc: {  	[smem:$0x3FB2] =	sst s4  }
0xd: {  	[smem:$0x3FB3] =	sst s5  }
0xe: {  	[smem:$0x3FB4] =	sst s6  }
0xf: {  	[smem:$0x3FB5] =	sst s7  }
0x10: {  	[smem:$0x3FB6] =	sst s8  }
0x11: {  	[smem:$0x3FB7] =	sst s9;
	s0 =	simm.s32 @!p0 $0x0  }
0x12: {  	s1 =	sld [smem:$0x3F9D];
	s0 =	simm.s32 @p0 $0x1  }
0x13: {  	[smem:$0x3FB8] =	sst s0;
	s0 =	simm.s32 @!p1 $0x0  }
0x14: {  	s2 =	sld [smem:$0x3F9C];
	s0 =	simm.s32 @p1 $0x1  }
0x15: {  	[smem:$0x3FB9] =	sst s0;
	s0 =	simm.s32 @!p2 $0x0  }
0x16: {  	s3 =	sld [smem:$0x3FDB];
	s0 =	simm.s32 @p2 $0x1  }
0x17: {  	s4 =	simm.s32 $0x1BF5;
	[smem:$0x3FBB] =	sst s0  }
0x18: {  	s0 =	sld [smem:$0x3F9E];
	_ =	swait.ge [sflag:s4], $0x0  }
0x19: {  	s7 =	sld [smem:$0x3F9F]  }
0x1a: {  	s8 =	sadd.s32 $0xFFFFE003, lr  }
0x1b: {  	s9 =	sadd.s32 $0xFFFFFEF7, lr;
	s5 =	simm.s32 $0xFFFFFFFF;
	p2 =	slt.u32 s8, $0xFFFFF086  }
0x1c: {  	p1 =	slt.u32 s9, $0xF7A;
	s5 =	simm.s32 @!p2 $0x0  }
0x1d: {  	s5 =	simm.s32 @p1 $0x1;
	p0 =	seq.s32 s7, s2  }
0x1e: {  	s7 =	smul.u32 @!p0 $0xF7A, s2;
	p2 =	seq.s32 @!p0 s5, $0x0  }
0x1f: {  	s9 =	smul.u32 $0xF7A, s1;
	s8 =	simm.s32 @!p0 $0x1BF5;
	p2 =	por !p2, p0  }
0x20: {  	[sflag:s8] =	ssyncset.s32 @!p0 $0xFFFFF086;
	s6 =	sadd.s32 @!p0 s3, s7;
	s7 =	simm.s32 @!p0 $0x108  }
0x21: {  	s3 =	sadd.s32 s3, s9;
	s6 =	sadd.s32 @!p0 $0x88, s6;
	s7 =	simm.s32 @p2 $0x1082  }
0x22: {  	[simem:s7], [sflag:s8] =	dma.local @!p0 [hbm:s6], $0xF7A  }
0x23: {  	s9 =	sor.u32 $0xD0000000, s2;
	s6 =	simm.s32 $0x108;
	_ =	swait.ge @!p0 [sflag:s8], $0x0  }
0x24: {  	s3 =	sadd.s32 $0x88, s3;
	s6 =	simm.s32 @!p1 $0x1082;
	[sflag:s4] =	ssyncset.s32 $0xFFFFF086  }
0x25: {  	[simem:s6], [sflag:s4] =	dma.local [hbm:s3], $0xF7A  }
0x26: {  	[smem:$0x3F9F] =	sst s1;
	(tag) =	ssettag s2;
	_ =	strace s9  }
0x27: {  	s1 =	sld [smem:$0x3FAF]  }
0x28: {  	s2 =	sld [smem:$0x3FB0]  }
0x29: {  	s4 =	sld [smem:$0x3FB2]  }
0x2a: {  	p0 =	seq.s32 s5, $0x0;
	s5 =	sld [smem:$0x3FB3]  }
0x2b: {  	s6 =	sld [smem:$0x3FB4]  }
0x2c: {  	s7 =	sld [smem:$0x3FB5]  }
0x2d: {  	s3 =	simm.s32 $0x108;
	s8 =	sld [smem:$0x3FB6]  }
0x2e: {  	s3 =	simm.s32 @!p0 $0x1082;
	s9 =	sld [smem:$0x3FB7]  }
0x2f: {  	lr =	sadd.s32 s0, s3;
	s0 =	sld [smem:$0x3FAE]  }
0x30: {  	s3 =	sld [smem:$0x3FB1]  }
0x31: {  	[smem:$0x3FBA] =	sst s10  }
0x32: {  	s10 =	sld [smem:$0x3FB8];
	_ =	sdelay $0x3  }
0x33: {  	p0 =	seq.s32 s10, $0x1;
	s10 =	sld [smem:$0x3FBA];
	_ =	sdelay $0x3  }
0x34: {  	[smem:$0x3FBA] =	sst s10  }
0x35: {  	s10 =	sld [smem:$0x3FB9];
	_ =	sdelay $0x3  }
0x36: {  	p1 =	seq.s32 s10, $0x1;
	s10 =	sld [smem:$0x3FBA];
	_ =	sdelay $0x3  }
0x37: {  	[smem:$0x3FBA] =	sst s10  }
0x38: {  	s10 =	sld [smem:$0x3FBB]  }
0x39: {  	_ = 	snop;
	(pc) =	sbr.ind lr, $3  }
0x3a: {  	_ = 	snop  }
0x3b: {  	_ = 	snop  }
0x3c: {  	p2 =	seq.s32 s10, $0x1;
	s10 =	sld [smem:$0x3FBA]  }
0x3d: {  	_ =	shalt  }
0x3e: {  	_ =	shalt  }
0x3f: {  	_ =	shalt  }
0x40: {  	_ =	shalt  }
0x41: {  	_ =	shalt  }
0x42: {  	_ =	shalt  }
0x43: {  	_ =	shalt  }
0x44: {  	_ =	shalt  }
0x45: {  	_ =	shalt  }
0x46: {  	_ =	shalt  }
0x47: {  	_ =	shalt  }
0x48: {  	_ =	shalt  }
0x49: {  	_ =	shalt  }
0x4a: {  	_ =	shalt  }
0x4b: {  	_ =	shalt  }
0x4c: {  	_ =	shalt  }
0x4d: {  	_ =	shalt  }
0x4e: {  	_ =	shalt  }
0x4f: {  	_ =	shalt  }
0x50: {  	_ =	shalt  }
0x51: {  	_ =	shalt  }
0x52: {  	_ =	shalt  }
0x53: {  	_ =	shalt  }
0x54: {  	_ =	shalt  }
0x55: {  	_ =	shalt  }
0x56: {  	_ =	shalt  }
0x57: {  	_ =	shalt  }
0x58: {  	_ =	shalt  }
0x59: {  	_ =	shalt  }
0x5a: {  	_ =	shalt  }
0x5b: {  	_ =	shalt  }
0x5c: {  	_ =	shalt  }
0x5d: {  	_ =	shalt  }
0x5e: {  	_ =	shalt  }
0x5f: {  	_ =	shalt  }
0x60: {  	_ =	shalt  }
0x61: {  	_ =	shalt  }
0x62: {  	_ =	shalt  }
0x63: {  	_ =	shalt  }
0x64: {  	_ =	shalt  }
0x65: {  	_ =	shalt  }
0x66: {  	_ =	shalt  }
0x67: {  	_ =	shalt  }
0x68: {  	_ =	shalt  }
0x69: {  	_ =	shalt  }
0x6a: {  	_ =	shalt  }
0x6b: {  	_ =	shalt  }
0x6c: {  	_ =	shalt  }
0x6d: {  	_ =	shalt  }
0x6e: {  	_ =	shalt  }
0x6f: {  	_ =	shalt  }
0x70: {  	_ =	shalt  }
0x71: {  	_ =	shalt  }
0x72: {  	_ =	shalt  }
0x73: {  	_ =	shalt  }
0x74: {  	_ =	shalt  }
0x75: {  	_ =	shalt  }
0x76: {  	_ =	shalt  }
0x77: {  	_ =	shalt  }
0x78: {  	_ =	shalt  }
0x79: {  	_ =	shalt  }
0x7a: {  	_ =	shalt  }
0x7b: {  	_ =	shalt  }
0x7c: {  	_ =	shalt  }
0x7d: {  	_ =	shalt  }
0x7e: {  	_ =	shalt  }
0x7f: {  	_ =	shalt  }
0x80: {  	_ =	shalt  }
0x81: {  	_ =	shalt  }
0x82: {  	_ =	shalt  }
0x83: {  	_ =	shalt  }
0x84: {  	_ =	shalt  }
0x85: {  	_ =	shalt  }
0x86: {  	_ =	shalt  }
0x87: {  	_ =	shalt  }
.Lfunc_end0:
.L_simem_size_0:
called_computation.2_lowered:
.L_overlay_start_0:
0x88: {  	s2 =	sld [smem:$0x3FD9]  }
0x89: {  	s3 =	sld [smem:$0x3FFE];
	_ =	sdelay $0x1  }
0x8a: {  	s1 =	srdreg.scid  }
0x8b: {  	s0 =	sand.u32 $0x1, s1  }
0x8c: {  	s16 =	sshll.u32 s0, $0xA;
	s2 =	sadd.s32 s3, s2  }
0x8d: {  	s2 =	sadd.s32 s2, s16  }
0x8e: {  	[smem:$0x3FC6] =	sst s2  }
0x8f: {  	_ = 	snop  }
0x90: {  	(tm) =	ssettm $0x1  }
0x91: {  	s17 =	sld [smem:$0x3FFB];
	_ =	sdelay $0x3  }
0x92: {  	_ =	strace s17  }
0x93: {  	s2 =	sld [smem:$0x3FFC];
	_ =	sdelay $0x3  }
0x94: {  	_ =	strace s2  }
0x95: {  	s2 =	sld [smem:$0x3FFD];
	_ =	sdelay $0x3  }
0x96: {  	_ =	strace s2  }
0x97: {  	_ =	strace $0x8FFFFFFF  }
0x98: {  	s18 =	sld [smem:$0x3FDB];
	_ =	sdelay $0x1  }
0x99: {  	s19 =	simm.s32 $_scs_section_size  }
0x9a: {  	s4 =	simm.s32 $_size__tile_overlayer_lowered;
	s5 =	simm.s32 $_tile_overlayer_lowered  }
0x9b: {  	s22 =	simm.s32 $0x1BFF;
	s21 =	sshll.u32 s5, $0x1;
	s2 =	sadd.s32 s19, s18  }
0x9c: {  	s6 =	simm.s32 $0x0;
	s20 =	sshll.u32 s4, $0x1;
	s4 =	sadd.s32 s21, s2  }
0x9d: {  	[timem:s6], [sflag:s22] =	dma.local [hbm:s4], s20  }
0x9e: {  	_ =	swait.ge [sflag:s22], s20  }
0x9f: {  	s3 =	ssub.s32 $0x0, s20;
	[sflag:s22] =	ssyncset.done $0x0  }
0xa0: {  	[sflag:s22] =	ssyncadd.s32 s3;
	_ =	sdelay $0x1  }
0xa1: {  	s23 =	simm.s32 $0x1B8B  }
0xa2: {  	_ =	swait.ge [sflag:s23], $0x1  }
0xa3: {  	[sflag:s23] =	ssyncset.done $0x0  }
0xa4: {  	s25 =	simm.s32 $0x1B8E;
	s24 =	sld [smem:$0x3FFE];
	[sflag:s23] =	ssyncadd.s32 $0xFFFFFFFF  }
0xa5: {  	s26 =	simm.s32 $execute0_lowered;
	[smem:$0x3FD2] =	sst s25  }
0xa6: {  	s4 =	sshll.u32 s26, $0x1;
	_ =	strace $0x80000049;
	[dreg:$0x1] =	wrdreg $0xFFFFFFFF  }
0xa7: {  	s28 =	simm.s32 $_size_execute0_lowered;
	s2 =	sadd.s32 s2, s4;
	[dreg:$0x0] =	wrdreg $0x0  }
0xa8: {  	s4 =	sshll.u32 s28, $0x1;
	[dreg:$0x2] =	wrdreg s2  }
0xa9: {  	[dreg:$0x3] =	wrdreg s4  }
0xaa: {  	[dreg:$0x4] =	wrdreg $0xC0  }
0xab: {  	_ =	task [dreg:s6], $0x5FFFF  }
0xac: {  	[dreg:$0x1] =	wrdreg $0xFFFFFFFF  }
0xad: {  	[dreg:$0x0] =	wrdreg $0x60  }
0xae: {  	[dreg:$0x2] =	wrdreg s24  }
0xaf: {  	[dreg:$0x3] =	wrdreg $0x9  }
0xb0: {  	_ =	task.clear_ibuf [dreg:s6], $0x4FFFF;
	_ =	strace $0x90000049  }
0xb1: {  	s29 =	simm.s32 $0x9;
	_ =	strace $0x8000004B  }
0xb2: {  	_ =	swait.ge [sflag:s29], $0x1  }
0xb3: {  	[sflag:s29] =	ssyncadd.s32 $0xFFFFFFFF  }
0xb4: {  	_ =	strace $0x9000004B  }
0xb5: {  	_ =	sfence  }
0xb6: {  	s30 =	sld [smem:$0x0];
	_ =	sdelay $0x2  }
0xb7: {  	s31 =	sshll.u32 s1, $0xD;
	s1 =	sshrl.u32 s1, $0x2  }
0xb8: {  	s3 =	sand.u32 $0x4000, s31;
	s1 =	sadd.s32 s1, s30  }
0xb9: {  	s0 =	sor.u32 s3, s0;
	s1 =	sshll.u32 s1, $0x11  }
0xba: {  	s0 =	sor.u32 s1, s0  }
0xbb: {  	s0 =	sadd.s32 $0x8F2B, s0  }
0xbc: {  	[sflag:s0] =	ssyncadd.remote.s32 $0x1  }
0xbd: {  	_ =	sfence.sel $0xFFFF  }
0xbe: {  	[dreg:$0x0] =	wrdreg $0xFFFFFFFF;
	(pc) =	sbr.abs _section_cstart, $3  }
0xbf: {  	[dreg:$0x1] =	wrdreg $0xFFFFFFFF  }
0xc0: {  	_ =	task.clear_ibuf [dreg:s6], $0x2FFFF;
	_ =	strace $0x9FFFFFFF  }
0xc1: {  	(tm) =	ssettm $0x7FFFFFFF  }
tec
execute0_lowered:
.L_overlay_start_1:
0x0: {  	(tag) =	ssettag $0x1  }
0x1: {  	s4 =	rddreg [dreg:$0x0];
	s1 =	srdreg.scid  }
0x2: {  	s0 =	rddreg [dreg:$0x1];
	s2 =	simm.s32 $0x0;
	s9 =	simm.s32 $0x0  }
0x3: {  	s5 =	sand.u32 $0x1, s1;
	[smem:$0x7FF] =	sst s2;
	s1 =	stileid.u32  }
0x4: {  	s3 =	sadd.s32 $0x3D1C00, s4;
	s4 =	sadd.s32 $0x1200, s4;
	s6 =	ssub.s32 $0x2, s5  }
0x5: {  	_ =	strace $0x8000004A;
	s8 =	sshll.u32 s1, $0x1;
	s7 =	sshrl.u32 s6, $0x1  }
0x6: {  	s5 =	sor.u32 s5, s8;
	s8 =	simm.s32 $0x9C40;
	s6 =	ssub.s32 s6, s7  }
0x7: {  	s5 =	smul.u32 $0x7A12, s5;
	s7 =	simm.s32 $0x1;
	s6 =	smax.u32 s6, $0x1  }
.LBB2_1:
0x8: {  	s10 =	simm.s32 $0x0  }
.LBB2_2:
0x9: {  	s11 =	smul.u32 $0x4E2, s10;
	_ =	sdelay $0x1  }
0xa: {  	s11 =	sadd.s32 s5, s11  }
0xb: {  	s11 =	sshll.u32 s11, $0x2  }
0xc: {  	s13 =	simm.s32 $0x0;
	s12 =	sadd.s32 s3, s11  }
0xd: {  	[tilespmem:s13], [sflag:$0x1] =	stream.linear.gather [hbm4b:s12+s13], $0x9C40, $0x38;
	[tilespmem:$0x13880] =	vst v63  }
0xe: {  	_ =	swait.ge [sflag:s7], $0x9C40  }
0xf: {  	[sflag:s7] =	ssyncset.done $0x0  }
0x10: {  	s12 =	simm.s32 $0x0;
	[sflag:s7] =	ssyncadd.s32 $0xFFFF63C0  }
0x11: {  	v0 =	vld [tilespmem:s12+$0x30]  }
0x12: {  	v1 =	vld [tilespmem:s12+$0x0]  }
0x13: {  	v2 =	vld [tilespmem:s12+$0x10]  }
0x14: {  	s13 =	simm.s32 $0x100;
	v3 =	vld [tilespmem:s12+$0x20]  }
.LBB2_3:
0x15: {  	p0 =	sne.s32 s13, $0x27000  }
.Ltmp0:
0x16: {  	s14 =	sshra.s32 s13, $0x2;
	s13 =	sadd.s32 $0x100, s13;
	[tilespmem:s12+$0x9C70] =	vst v0;
	(pc) =	sbr.rel @p0 .LBB2_3-.Ltmp0, $4  }
0x17: {  	v0 =	vld [tilespmem:s14+$0x30];
	[tilespmem:s12+$0x9C40] =	vst v1  }
0x18: {  	v1 =	vld [tilespmem:s14+$0x0];
	[tilespmem:s12+$0x9C50] =	vst v2  }
0x19: {  	v2 =	vld [tilespmem:s14+$0x10];
	[tilespmem:s12+$0x9C60] =	vst v3;
	s12 =	smov.u32 s14  }
0x1a: {  	v3 =	vld [tilespmem:s12+$0x20]  }
0x1b: {  	_ = 	snop  }
0x1c: {  	[tilespmem:s12+$0x9C70] =	vst v0  }
0x1d: {  	s10 =	sadd.s32 $0x1, s10;
	[tilespmem:s12+$0x9C40] =	vst v1  }
0x1e: {  	p0 =	sne.s32 s10, $0x19;
	[tilespmem:s12+$0x9C50] =	vst v2  }
.Ltmp1:
0x1f: {  	s11 =	sadd.s32 s4, s11;
	[tilespmem:s12+$0x9C60] =	vst v3;
	(pc) =	sbr.rel @p0 .LBB2_2-.Ltmp1, $4  }
0x20: {  	[hbm4b:s11+s2] =	stream.linear.scatter [tilespmem:s8], [sflag:$0x1], $0x9C40, $0x38;
	[tilespmem:$0x13880] =	vst v63  }
0x21: {  	_ =	swait.ge [sflag:s7], $0x9C40  }
0x22: {  	[sflag:s7] =	ssyncset.done $0x0  }
0x23: {  	[sflag:s7] =	ssyncadd.s32 $0xFFFF63C0  }
0x24: {  	s9 =	sadd.s32 $0x1, s9  }
0x25: {  	p0 =	sne.s32 s9, s6  }
.Ltmp2:
0x26: {  	_ = 	snop;
	(pc) =	sbr.rel @p0 .LBB2_1-.Ltmp2, $1  }
0x27: {  	_ =	sdelay $0x3  }
0x28: {  	_ =	sfence.sel $0x180000  }
0x29: {  	[bflag:$0x0] =	sbarrier.arrive $0xFFFF  }
0x2a: {  	p0 =	sne.s32 s1, $0x0;
	_ =	strace $0x9000004A  }
0x2b: {  	s0 =	sadd.s32 @!p0 $0x100000, s0;
	[bflag:$0x2] =	sbarrier.arrive $0xFFFF  }
0x2c: {  	[sflag:s0] =	ssyncadd.tile.s32 @!p0 $0x1;
	_ =	shalt  }
.Lfunc_end2:
_tile_overlayer_lowered:
.L_overlay_start_2:
0x2d: {  	(tag) =	ssettag $0x2  }
0x2e: {  	s0 =	rddreg [dreg:$0x0];
	s2 =	stileid.u32  }
0x2f: {  	s1 =	rddreg [dreg:$0x1];
	p0 =	sne.s32 s2, $0x0  }
0x30: {  	s3 =	rddreg [dreg:$0x2];
	[bflag:$0x3] =	sbarrier.arrive $0xFFFF;
	s2 =	simm.s32 @!p0 $0x1C01  }
0x31: {  	[timem:s3], [sflag:s2] =	dma.local @!p0 [hbm:s0], s1  }
0x32: {  	s0 =	simm.s32 @!p0 $0x1  }
0x33: {  	_ =	swait.ge @!p0 [sflag:s0], s1  }
0x34: {  	s1 =	ssub.s32 @!p0 $0x0, s1;
	[sflag:s0] =	ssyncset.done @!p0 $0x0  }
0x35: {  	[sflag:s0] =	ssyncadd.s32 @!p0 s1  }
0x36: {  	[bflag:$0x3] =	sbarrier.arrive $0xFFFF  }
0x37: {  	_ =	shalt  }

// kernel: kernel.7.cloned.1.call-start
scs
__scs_entry_jumppad:
0x0: {  	(pc) =	sbr.rel $0x88, $3  }
0x1: {  	(tag) =	ssettag $0x0;
	lr =	simm.s32 $0x1  }
0x2: {  	[smem:$0x3F9F] =	sst lr;
	_ =	strace $0xD0000000  }
0x3: {  	_ = 	snop  }
0x4: {  	_ = 	snop  }
0x5: {  	_ = 	snop  }
0x6: {  	_ = 	snop  }
0x7: {  	_ = 	snop  }
__scs_overlays_trampoline_lowered:
0x8: {  	[smem:$0x3FAE] =	sst s0  }
0x9: {  	[smem:$0x3FAF] =	sst s1  }
0xa: {  	[smem:$0x3FB0] =	sst s2  }
0xb: {  	[smem:$0x3FB1] =	sst s3  }
0xc: {  	[smem:$0x3FB2] =	sst s4  }
0xd: {  	[smem:$0x3FB3] =	sst s5  }
0xe: {  	[smem:$0x3FB4] =	sst s6  }
0xf: {  	[smem:$0x3FB5] =	sst s7  }
0x10: {  	[smem:$0x3FB6] =	sst s8  }
0x11: {  	[smem:$0x3FB7] =	sst s9;
	s0 =	simm.s32 @!p0 $0x0  }
0x12: {  	s1 =	sld [smem:$0x3F9D];
	s0 =	simm.s32 @p0 $0x1  }
0x13: {  	[smem:$0x3FB8] =	sst s0;
	s0 =	simm.s32 @!p1 $0x0  }
0x14: {  	s2 =	sld [smem:$0x3F9C];
	s0 =	simm.s32 @p1 $0x1  }
0x15: {  	[smem:$0x3FB9] =	sst s0;
	s0 =	simm.s32 @!p2 $0x0  }
0x16: {  	s3 =	sld [smem:$0x3FDB];
	s0 =	simm.s32 @p2 $0x1  }
0x17: {  	s4 =	simm.s32 $0x1BF5;
	[smem:$0x3FBB] =	sst s0  }
0x18: {  	s0 =	sld [smem:$0x3F9E];
	_ =	swait.ge [sflag:s4], $0x0  }
0x19: {  	s7 =	sld [smem:$0x3F9F]  }
0x1a: {  	s8 =	sadd.s32 $0xFFFFE003, lr  }
0x1b: {  	s9 =	sadd.s32 $0xFFFFFEF7, lr;
	s5 =	simm.s32 $0xFFFFFFFF;
	p2 =	slt.u32 s8, $0xFFFFF086  }
0x1c: {  	p1 =	slt.u32 s9, $0xF7A;
	s5 =	simm.s32 @!p2 $0x0  }
0x1d: {  	s5 =	simm.s32 @p1 $0x1;
	p0 =	seq.s32 s7, s2  }
0x1e: {  	s7 =	smul.u32 @!p0 $0xF7A, s2;
	p2 =	seq.s32 @!p0 s5, $0x0  }
0x1f: {  	s9 =	smul.u32 $0xF7A, s1;
	s8 =	simm.s32 @!p0 $0x1BF5;
	p2 =	por !p2, p0  }
0x20: {  	[sflag:s8] =	ssyncset.s32 @!p0 $0xFFFFF086;
	s6 =	sadd.s32 @!p0 s3, s7;
	s7 =	simm.s32 @!p0 $0x108  }
0x21: {  	s3 =	sadd.s32 s3, s9;
	s6 =	sadd.s32 @!p0 $0x88, s6;
	s7 =	simm.s32 @p2 $0x1082  }
0x22: {  	[simem:s7], [sflag:s8] =	dma.local @!p0 [hbm:s6], $0xF7A  }
0x23: {  	s9 =	sor.u32 $0xD0000000, s2;
	s6 =	simm.s32 $0x108;
	_ =	swait.ge @!p0 [sflag:s8], $0x0  }
0x24: {  	s3 =	sadd.s32 $0x88, s3;
	s6 =	simm.s32 @!p1 $0x1082;
	[sflag:s4] =	ssyncset.s32 $0xFFFFF086  }
0x25: {  	[simem:s6], [sflag:s4] =	dma.local [hbm:s3], $0xF7A  }
0x26: {  	[smem:$0x3F9F] =	sst s1;
	(tag) =	ssettag s2;
	_ =	strace s9  }
0x27: {  	s1 =	sld [smem:$0x3FAF]  }
0x28: {  	s2 =	sld [smem:$0x3FB0]  }
0x29: {  	s4 =	sld [smem:$0x3FB2]  }
0x2a: {  	p0 =	seq.s32 s5, $0x0;
	s5 =	sld [smem:$0x3FB3]  }
0x2b: {  	s6 =	sld [smem:$0x3FB4]  }
0x2c: {  	s7 =	sld [smem:$0x3FB5]  }
0x2d: {  	s3 =	simm.s32 $0x108;
	s8 =	sld [smem:$0x3FB6]  }
0x2e: {  	s3 =	simm.s32 @!p0 $0x1082;
	s9 =	sld [smem:$0x3FB7]  }
0x2f: {  	lr =	sadd.s32 s0, s3;
	s0 =	sld [smem:$0x3FAE]  }
0x30: {  	s3 =	sld [smem:$0x3FB1]  }
0x31: {  	[smem:$0x3FBA] =	sst s10  }
0x32: {  	s10 =	sld [smem:$0x3FB8];
	_ =	sdelay $0x3  }
0x33: {  	p0 =	seq.s32 s10, $0x1;
	s10 =	sld [smem:$0x3FBA];
	_ =	sdelay $0x3  }
0x34: {  	[smem:$0x3FBA] =	sst s10  }
0x35: {  	s10 =	sld [smem:$0x3FB9];
	_ =	sdelay $0x3  }
0x36: {  	p1 =	seq.s32 s10, $0x1;
	s10 =	sld [smem:$0x3FBA];
	_ =	sdelay $0x3  }
0x37: {  	[smem:$0x3FBA] =	sst s10  }
0x38: {  	s10 =	sld [smem:$0x3FBB]  }
0x39: {  	_ = 	snop;
	(pc) =	sbr.ind lr, $3  }
0x3a: {  	_ = 	snop  }
0x3b: {  	_ = 	snop  }
0x3c: {  	p2 =	seq.s32 s10, $0x1;
	s10 =	sld [smem:$0x3FBA]  }
0x3d: {  	_ =	shalt  }
0x3e: {  	_ =	shalt  }
0x3f: {  	_ =	shalt  }
0x40: {  	_ =	shalt  }
0x41: {  	_ =	shalt  }
0x42: {  	_ =	shalt  }
0x43: {  	_ =	shalt  }
0x44: {  	_ =	shalt  }
0x45: {  	_ =	shalt  }
0x46: {  	_ =	shalt  }
0x47: {  	_ =	shalt  }
0x48: {  	_ =	shalt  }
0x49: {  	_ =	shalt  }
0x4a: {  	_ =	shalt  }
0x4b: {  	_ =	shalt  }
0x4c: {  	_ =	shalt  }
0x4d: {  	_ =	shalt  }
0x4e: {  	_ =	shalt  }
0x4f: {  	_ =	shalt  }
0x50: {  	_ =	shalt  }
0x51: {  	_ =	shalt  }
0x52: {  	_ =	shalt  }
0x53: {  	_ =	shalt  }
0x54: {  	_ =	shalt  }
0x55: {  	_ =	shalt  }
0x56: {  	_ =	shalt  }
0x57: {  	_ =	shalt  }
0x58: {  	_ =	shalt  }
0x59: {  	_ =	shalt  }
0x5a: {  	_ =	shalt  }
0x5b: {  	_ =	shalt  }
0x5c: {  	_ =	shalt  }
0x5d: {  	_ =	shalt  }
0x5e: {  	_ =	shalt  }
0x5f: {  	_ =	shalt  }
0x60: {  	_ =	shalt  }
0x61: {  	_ =	shalt  }
0x62: {  	_ =	shalt  }
0x63: {  	_ =	shalt  }
0x64: {  	_ =	shalt  }
0x65: {  	_ =	shalt  }
0x66: {  	_ =	shalt  }
0x67: {  	_ =	shalt  }
0x68: {  	_ =	shalt  }
0x69: {  	_ =	shalt  }
0x6a: {  	_ =	shalt  }
0x6b: {  	_ =	shalt  }
0x6c: {  	_ =	shalt  }
0x6d: {  	_ =	shalt  }
0x6e: {  	_ =	shalt  }
0x6f: {  	_ =	shalt  }
0x70: {  	_ =	shalt  }
0x71: {  	_ =	shalt  }
0x72: {  	_ =	shalt  }
0x73: {  	_ =	shalt  }
0x74: {  	_ =	shalt  }
0x75: {  	_ =	shalt  }
0x76: {  	_ =	shalt  }
0x77: {  	_ =	shalt  }
0x78: {  	_ =	shalt  }
0x79: {  	_ =	shalt  }
0x7a: {  	_ =	shalt  }
0x7b: {  	_ =	shalt  }
0x7c: {  	_ =	shalt  }
0x7d: {  	_ =	shalt  }
0x7e: {  	_ =	shalt  }
0x7f: {  	_ =	shalt  }
0x80: {  	_ =	shalt  }
0x81: {  	_ =	shalt  }
0x82: {  	_ =	shalt  }
0x83: {  	_ =	shalt  }
0x84: {  	_ =	shalt  }
0x85: {  	_ =	shalt  }
0x86: {  	_ =	shalt  }
0x87: {  	_ =	shalt  }
.Lfunc_end0:
.L_simem_size_0:
called_computation.3_lowered:
.L_overlay_start_0:
0x88: {  	s2 =	sld [smem:$0x3FD9]  }
0x89: {  	s3 =	sld [smem:$0x3FFE];
	_ =	sdelay $0x1  }
0x8a: {  	s1 =	srdreg.scid  }
0x8b: {  	s0 =	sand.u32 $0x1, s1  }
0x8c: {  	s17 =	sshll.u32 s0, $0xA;
	s2 =	sadd.s32 s3, s2  }
0x8d: {  	s2 =	sadd.s32 s2, s17  }
0x8e: {  	[smem:$0x3FC6] =	sst s2  }
0x8f: {  	_ = 	snop  }
0x90: {  	s2 =	sld [smem:$0x3FD0];
	(tm) =	ssettm $0x1  }
0x91: {  	s18 =	sld [smem:$0x3FFB];
	_ =	sdelay $0x3  }
0x92: {  	_ =	strace s18  }
0x93: {  	s3 =	sld [smem:$0x3FFC];
	_ =	sdelay $0x3  }
0x94: {  	_ =	strace s3  }
0x95: {  	s3 =	sld [smem:$0x3FFD];
	_ =	sdelay $0x3  }
0x96: {  	_ =	strace s3  }
0x97: {  	_ =	strace $0x8FFFFFFF  }
0x98: {  	s19 =	sld [smem:$0x3FDB];
	_ =	sdelay $0x1  }
0x99: {  	s4 =	simm.s32 $_scs_section_size  }
0x9a: {  	s5 =	simm.s32 $_size__tile_overlayer_lowered;
	s6 =	simm.s32 $_tile_overlayer_lowered  }
0x9b: {  	s22 =	simm.s32 $0x1BFF;
	s21 =	sshll.u32 s6, $0x1;
	s3 =	sadd.s32 s4, s19  }
0x9c: {  	s7 =	simm.s32 $0x0;
	s20 =	sshll.u32 s5, $0x1;
	s5 =	sadd.s32 s21, s3  }
0x9d: {  	[timem:s7], [sflag:s22] =	dma.local [hbm:s5], s20  }
0x9e: {  	_ =	swait.ge [sflag:s22], s20  }
0x9f: {  	s4 =	ssub.s32 $0x0, s20;
	[sflag:s22] =	ssyncset.done $0x0  }
0xa0: {  	[sflag:s22] =	ssyncadd.s32 s4;
	_ =	sdelay $0x1  }
0xa1: {  	s23 =	simm.s32 $0x1B8B  }
0xa2: {  	_ =	swait.ge [sflag:s23], $0x1  }
0xa3: {  	[sflag:s23] =	ssyncset.done $0x0  }
0xa4: {  	s25 =	simm.s32 $0x1B8E;
	s24 =	sld [smem:$0x3FFE];
	[sflag:s23] =	ssyncadd.s32 $0xFFFFFFFF  }
0xa5: {  	s26 =	simm.s32 $execute0_lowered;
	[smem:$0x3FD2] =	sst s25  }
0xa6: {  	s5 =	sshll.u32 s26, $0x1;
	_ =	strace $0x8000004C;
	[dreg:$0x1] =	wrdreg $0xFFFFFFFF  }
0xa7: {  	s28 =	simm.s32 $_size_execute0_lowered;
	s3 =	sadd.s32 s3, s5;
	[dreg:$0x0] =	wrdreg $0x0  }
0xa8: {  	s5 =	sshll.u32 s28, $0x1;
	[dreg:$0x2] =	wrdreg s3  }
0xa9: {  	[dreg:$0x3] =	wrdreg s5  }
0xaa: {  	[dreg:$0x4] =	wrdreg $0xC0  }
0xab: {  	_ =	task [dreg:s7], $0x5FFFF  }
0xac: {  	[dreg:$0x1] =	wrdreg $0xFFFFFFFF  }
0xad: {  	[dreg:$0x0] =	wrdreg $0x60  }
0xae: {  	[dreg:$0x2] =	wrdreg s24  }
0xaf: {  	[dreg:$0x3] =	wrdreg s2  }
0xb0: {  	[dreg:$0x4] =	wrdreg $0x9  }
0xb1: {  	_ =	task.clear_ibuf [dreg:s7], $0x5FFFF;
	_ =	strace $0x9000004C  }
0xb2: {  	s29 =	simm.s32 $0x9;
	_ =	strace $0x8000004E  }
0xb3: {  	_ =	swait.ge [sflag:s29], $0x1  }
0xb4: {  	[sflag:s29] =	ssyncadd.s32 $0xFFFFFFFF  }
0xb5: {  	_ =	strace $0x9000004E  }
0xb6: {  	_ =	sfence  }
0xb7: {  	s30 =	sld [smem:$0x0];
	_ =	sdelay $0x2  }
0xb8: {  	s31 =	sshll.u32 s1, $0xD;
	s1 =	sshrl.u32 s1, $0x2  }
0xb9: {  	s3 =	sand.u32 $0x4000, s31;
	s1 =	sadd.s32 s1, s30  }
0xba: {  	s0 =	sor.u32 s3, s0;
	s1 =	sshll.u32 s1, $0x11  }
0xbb: {  	s0 =	sor.u32 s1, s0  }
0xbc: {  	s0 =	sadd.s32 $0x8F2B, s0  }
0xbd: {  	[sflag:s0] =	ssyncadd.remote.s32 $0x1  }
0xbe: {  	_ =	sfence.sel $0xFFFF  }
0xbf: {  	[dreg:$0x0] =	wrdreg $0xFFFFFFFF;
	(pc) =	sbr.abs _section_cstart, $3  }
0xc0: {  	[dreg:$0x1] =	wrdreg $0xFFFFFFFF  }
0xc1: {  	_ =	task.clear_ibuf [dreg:s7], $0x2FFFF;
	_ =	strace $0x9FFFFFFF  }
0xc2: {  	(tm) =	ssettm $0x7FFFFFFF  }
0xc3: {  	_ =	shalt  }
tec
execute0_lowered:
.L_overlay_start_1:
0x0: {  	(tag) =	ssettag $0x1  }
0x1: {  	s5 =	rddreg [dreg:$0x0]  }
0x2: {  	s1 =	srdreg.scid;
	s0 =	stileid.u32  }
0x3: {  	s6 =	rddreg [dreg:$0x1];
	s2 =	simm.s32 $0x0;
	s10 =	simm.s32 $0x320  }
0x4: {  	s11 =	simm.s32 $0x6400;
	s12 =	simm.s32 $0xC800;
	s13 =	simm.s32 $0x1  }
0x5: {  	s14 =	simm.s32 $0x12C00;
	s15 =	simm.s32 $0x2;
	s16 =	simm.s32 $0x0  }
0x6: {  	s7 =	sand.u32 $0x1, s1;
	s3 =	sshll.u32 s0, $0x1;
	s1 =	rddreg [dreg:$0x2]  }
.Ltmp0:
0x7: {  	[smem:$0x7FF] =	sst s2;
	s3 =	sor.u32 s7, s3;
	(pc) =	sbr.rel .LBB2_1-.Ltmp0, $4  }
0x8: {  	s4 =	sadd.s32 $0x1200, s5;
	s7 =	ssub.s32 $0x2, s7;
	s3 =	smul.u32 $0x6400, s3  }
0x9: {  	s5 =	sadd.s32 $0x3D1C00, s5;
	_ =	strace $0x8000004D;
	s8 =	sshrl.u32 s7, $0x1  }
0xa: {  	s8 =	ssub.s32 s7, s8;
	s9 =	sshrl.u32 s3, $0x3;
	s7 =	sor.u32 $0x320, s3  }
0xb: {  	s8 =	smax.u32 s8, $0x1;
	s6 =	sadd.s32 s6, s9;
	s9 =	simm.s32 $0x3  }
.LBB2_8:
0xc: {  	s16 =	sadd.s32 $0x1, s16  }
0xd: {  	p0 =	sne.s32 s16, s8  }
.Ltmp1:
0xe: {  	_ = 	snop;
	(pc) =	sbr.rel @!p0 .LBB2_9-.Ltmp1, $1  }
0xf: {  	_ =	sdelay $0x3  }
.LBB2_1:
0x10: {  	[tilespmem:s2], [sflag:$0x3] =	stream.linear.gather [hbm4b:s6+s2], $0x6400, $0x38;
	[tilespmem:$0x19000] =	vst v63  }
0x11: {  	_ =	swait.ge [sflag:s9], $0x6400  }
0x12: {  	[sflag:s9] =	ssyncset.done $0x0  }
0x13: {  	[sflag:s9] =	ssyncadd.s32 $0xFFFF9C00  }
0x14: {  	[tilespmem:s11], [sflag:$0x1] =	stream.indirect.gather [hbm4b:s4+s10], $0x20, s2, s10, $0xb8;
	[tilespmem:$0x19000] =	vst v63  }
0x15: {  	s17 =	simm.s32 $0x0  }
0x16: {  	[tilespmem:s12], [sflag:$0x2] =	stream.indirect.gather [hbm4b:s4+s10], $0x20, s10, s10, $0xb8;
	[tilespmem:$0x19000] =	vst v63  }
.LBB2_2:
0x17: {  	_ =	swait.ge [sflag:s13], $0x6400  }
0x18: {  	[sflag:s13] =	ssyncset.done $0x0  }
0x19: {  	s19 =	simm.s32 $0x0;
	[sflag:s13] =	ssyncadd.s32 $0xFFFF9C00  }
0x1a: {  	v1 =	vld [tilespmem:s19+$0x6430]  }
0x1b: {  	v2 =	vld [tilespmem:s19+$0x6400]  }
0x1c: {  	v0 =	vld [tilespmem:s19+$0x6410]  }
0x1d: {  	s18 =	simm.s32 $0x100;
	v3 =	vld [tilespmem:s19+$0x6420]  }
.LBB2_3:
0x1e: {  	p0 =	sne.s32 s18, $0x18F00  }
.Ltmp2:
0x1f: {  	s20 =	sshra.s32 s18, $0x2;
	s18 =	sadd.s32 $0x100, s18;
	[tilespmem:s19+$0x12C30] =	vst v1;
	(pc) =	sbr.rel @p0 .LBB2_3-.Ltmp2, $4  }
0x20: {  	v1 =	vld [tilespmem:s20+$0x6430];
	[tilespmem:s19+$0x12C00] =	vst v2  }
0x21: {  	v2 =	vld [tilespmem:s20+$0x6400];
	[tilespmem:s19+$0x12C10] =	vst v0  }
0x22: {  	v0 =	vld [tilespmem:s20+$0x6410];
	[tilespmem:s19+$0x12C20] =	vst v3;
	s19 =	smov.u32 s20  }
0x23: {  	v3 =	vld [tilespmem:s19+$0x6420]  }
0x24: {  	s18 =	smul.u32 $0x640, s17  }
0x25: {  	[tilespmem:s19+$0x12C30] =	vst v1  }
0x26: {  	[tilespmem:s19+$0x12C00] =	vst v2;
	s20 =	sadd.s32 s3, s18  }
0x27: {  	p0 =	seq.s32 s17, $0xF;
	[tilespmem:s19+$0x12C10] =	vst v0;
	s20 =	sshll.u32 s20, $0x2  }
0x28: {  	[tilespmem:s19+$0x12C20] =	vst v3;
	s31 =	sadd.s32 s5, s20;
	s19 =	smul.u32 @!p0 $0x1900, s17  }
0x29: {  	[hbm4b:s31+s2] =	stream.linear.scatter [tilespmem:s14], [sflag:$0x3], $0x6400, $0x38;
	[tilespmem:$0x19000] =	vst v63  }
0x2a: {  	_ =	swait.ge [sflag:s9], $0x6400  }
0x2b: {  	s21 =	simm.s32 @!p0 $0x6400;
	s19 =	sshra.s32 @!p0 s19, $0x2;
	[sflag:s9] =	ssyncset.done $0x0  }
0x2c: {  	s20 =	simm.s32 @!p0 $0x320;
	s19 =	sadd.s32 @!p0 $0x640, s19;
	[sflag:s9] =	ssyncadd.s32 $0xFFFF9C00  }
0x2d: {  	[tilespmem:s21], [sflag:$0x1] =	stream.indirect.gather @!p0 [hbm4b:s4+s20], $0x20, s19, s20, $0xb8;
	[tilespmem:$0x19000] =	vst v63  }
0x2e: {  	_ =	swait.ge [sflag:s15], $0x6400  }
0x2f: {  	[sflag:s15] =	ssyncset.done $0x0  }
0x30: {  	s19 =	simm.s32 $0x0;
	[sflag:s15] =	ssyncadd.s32 $0xFFFF9C00  }
0x31: {  	v3 =	vld [tilespmem:s19+$0xC830]  }
0x32: {  	v1 =	vld [tilespmem:s19+$0xC800]  }
0x33: {  	v0 =	vld [tilespmem:s19+$0xC810]  }
0x34: {  	s20 =	simm.s32 $0x100;
	v2 =	vld [tilespmem:s19+$0xC820]  }
.LBB2_5:
0x35: {  	p1 =	sne.s32 s20, $0x18F00  }
.Ltmp3:
0x36: {  	s21 =	sshra.s32 s20, $0x2;
	s20 =	sadd.s32 $0x100, s20;
	[tilespmem:s19+$0x12C30] =	vst v3;
	(pc) =	sbr.rel @p1 .LBB2_5-.Ltmp3, $4  }
0x37: {  	v3 =	vld [tilespmem:s21+$0xC830];
	[tilespmem:s19+$0x12C00] =	vst v1  }
0x38: {  	v1 =	vld [tilespmem:s21+$0xC800];
	[tilespmem:s19+$0x12C10] =	vst v0  }
0x39: {  	v0 =	vld [tilespmem:s21+$0xC810];
	[tilespmem:s19+$0x12C20] =	vst v2;
	s19 =	smov.u32 s21  }
0x3a: {  	v2 =	vld [tilespmem:s19+$0xC820]  }
0x3b: {  	_ = 	snop  }
0x3c: {  	s18 =	sadd.s32 s18, s7;
	[tilespmem:s19+$0x12C30] =	vst v3  }
0x3d: {  	s18 =	sshll.u32 s18, $0x2;
	[tilespmem:s19+$0x12C00] =	vst v1  }
0x3e: {  	s18 =	sand.u32 $0xFFFFF80, s18;
	[tilespmem:s19+$0x12C10] =	vst v0  }
.Ltmp4:
0x3f: {  	s18 =	sadd.s32 s5, s18;
	[tilespmem:s19+$0x12C20] =	vst v2;
	(pc) =	sbr.rel @p0 .LBB2_8-.Ltmp4, $4  }
0x40: {  	[hbm4b:s18+s2] =	stream.linear.scatter [tilespmem:s14], [sflag:$0x3], $0x6400, $0x38;
	[tilespmem:$0x19000] =	vst v63  }
0x41: {  	_ =	swait.ge [sflag:s9], $0x6400  }
0x42: {  	[sflag:s9] =	ssyncset.done $0x0  }
0x43: {  	[sflag:s9] =	ssyncadd.s32 $0xFFFF9C00  }
0x44: {  	s18 =	smul.u32 $0x1900, s17  }
.Ltmp5:
0x45: {  	_ = 	snop;
	(pc) =	sbr.rel .LBB2_2-.Ltmp5, $4  }
0x46: {  	_ = 	snop  }
0x47: {  	s18 =	sshra.s32 s18, $0x2  }
0x48: {  	s17 =	sadd.s32 $0x1, s17;
	s18 =	sadd.s32 $0x960, s18  }
0x49: {  	[tilespmem:s12], [sflag:$0x2] =	stream.indirect.gather [hbm4b:s4+s10], $0x20, s18, s10, $0xb8;
	[tilespmem:$0x19000] =	vst v63  }
.LBB2_9:
0x4a: {  	_ =	sfence.sel $0x180000  }
0x4b: {  	[bflag:$0x0] =	sbarrier.arrive $0xFFFF  }
0x4c: {  	p0 =	sne.s32 s0, $0x0;
	_ =	strace $0x9000004D  }
0x4d: {  	s0 =	sadd.s32 @!p0 $0x100000, s1;
	[bflag:$0x2] =	sbarrier.arrive $0xFFFF  }
0x4e: {  	[sflag:s0] =	ssyncadd.tile.s32 @!p0 $0x1;
	_ =	shalt  }
.Lfunc_end2:
_tile_overlayer_lowered:
.L_overlay_start_2:
0x4f: {  	(tag) =	ssettag $0x2  }
0x50: {  	s0 =	rddreg [dreg:$0x0];
	s2 =	stileid.u32  }
0x51: {  	s1 =	rddreg [dreg:$0x1];
	p0 =	sne.s32 s2, $0x0  }
0x52: {  	s3 =	rddreg [dreg:$0x2];
	[bflag:$0x3] =	sbarrier.arrive $0xFFFF;
	s2 =	simm.s32 @!p0 $0x1C03  }
0x53: {  	[timem:s3], [sflag:s2] =	dma.local @!p0 [hbm:s0], s1  }
0x54: {  	s0 =	simm.s32 @!p0 $0x3  }
0x55: {  	_ =	swait.ge @!p0 [sflag:s0], s1  }
0x56: {  	s1 =	ssub.s32 @!p0 $0x0, s1;
	[sflag:s0] =	ssyncset.done @!p0 $0x0  }
0x57: {  	[sflag:s0] =	ssyncadd.s32 @!p0 s1  }
0x58: {  	[bflag:$0x3] =	sbarrier.arrive $0xFFFF  }
0x59: {  	_ =	shalt  }

// kernel: sparse-core-data-format-call.1.cloned.1.call-start
scs
called_computation.1_lowered:
.L_overlay_start_0:
0x0: {  	s1 =	sld [smem:$0x3FD9]  }
0x1: {  	s2 =	sld [smem:$0x3FFE];
	_ =	sdelay $0x1  }
0x2: {  	s3 =	srdreg.scid  }
0x3: {  	s0 =	sand.u32 $0x1, s3  }
0x4: {  	s17 =	sshll.u32 s0, $0xA;
	s1 =	sadd.s32 s2, s1  }
0x5: {  	s1 =	sadd.s32 s1, s17  }
0x6: {  	[smem:$0x3FC6] =	sst s1  }
0x7: {  	_ = 	snop  }
0x8: {  	(tm) =	ssettm $0x1  }
0x9: {  	s18 =	sld [smem:$0x3FFB];
	_ =	sdelay $0x3  }
0xa: {  	_ =	strace s18  }
0xb: {  	s1 =	sld [smem:$0x3FFC];
	_ =	sdelay $0x3  }
0xc: {  	_ =	strace s1  }
0xd: {  	s1 =	sld [smem:$0x3FFD];
	_ =	sdelay $0x3  }
0xe: {  	_ =	strace s1  }
0xf: {  	_ =	strace $0x8FFFFFFF  }
0x10: {  	s19 =	sld [smem:$0x3FDB];
	_ =	sdelay $0x1  }
0x11: {  	s20 =	simm.s32 $_scs_section_size  }
0x12: {  	s4 =	simm.s32 $_size__tile_overlayer_lowered;
	s5 =	simm.s32 $_tile_overlayer_lowered  }
0x13: {  	s23 =	simm.s32 $0x1BFF;
	s22 =	sshll.u32 s5, $0x1;
	s1 =	sadd.s32 s20, s19  }
0x14: {  	s6 =	simm.s32 $0x0;
	s21 =	sshll.u32 s4, $0x1;
	s4 =	sadd.s32 s22, s1  }
0x15: {  	[timem:s6], [sflag:s23] =	dma.local [hbm:s4], s21  }
0x16: {  	_ =	swait.ge [sflag:s23], s21  }
0x17: {  	s2 =	ssub.s32 $0x0, s21;
	[sflag:s23] =	ssyncset.done $0x0  }
0x18: {  	[sflag:s23] =	ssyncadd.s32 s2;
	_ =	sdelay $0x1  }
0x19: {  	s24 =	simm.s32 $0x1B8B  }
0x1a: {  	_ =	swait.ge [sflag:s24], $0x1  }
0x1b: {  	[sflag:s24] =	ssyncset.done $0x0  }
0x1c: {  	s26 =	simm.s32 $0x1B8E;
	s25 =	sld [smem:$0x3FFE];
	[sflag:s24] =	ssyncadd.s32 $0xFFFFFFFF  }
0x1d: {  	s27 =	simm.s32 $execute0_lowered;
	[smem:$0x3FD2] =	sst s26  }
0x1e: {  	s4 =	sshll.u32 s27, $0x1;
	_ =	strace $0x80000046;
	[dreg:$0x1] =	wrdreg $0xFFFFFFFF  }
0x1f: {  	s28 =	simm.s32 $_size_execute0_lowered;
	s1 =	sadd.s32 s1, s4;
	[dreg:$0x0] =	wrdreg $0x0  }
0x20: {  	s4 =	sshll.u32 s28, $0x1;
	[dreg:$0x2] =	wrdreg s1  }
0x21: {  	[dreg:$0x3] =	wrdreg s4  }
0x22: {  	[dreg:$0x4] =	wrdreg $0xC0  }
0x23: {  	_ =	task [dreg:s6], $0x5FFFF  }
0x24: {  	[dreg:$0x1] =	wrdreg $0xFFFFFFFF  }
0x25: {  	[dreg:$0x0] =	wrdreg $0x60  }
0x26: {  	[dreg:$0x2] =	wrdreg s25  }
0x27: {  	[dreg:$0x3] =	wrdreg $0x9  }
0x28: {  	_ =	task.clear_ibuf [dreg:s6], $0x4FFFF;
	_ =	strace $0x90000046  }
0x29: {  	s29 =	simm.s32 $0x9;
	_ =	strace $0x80000048  }
0x2a: {  	_ =	swait.ge [sflag:s29], $0x1  }
0x2b: {  	[sflag:s29] =	ssyncadd.s32 $0xFFFFFFFF  }
0x2c: {  	_ =	strace $0x90000048  }
0x2d: {  	_ =	sfence  }
0x2e: {  	s30 =	sld [smem:$0x0];
	_ =	sdelay $0x2  }
0x2f: {  	s31 =	sshll.u32 s3, $0xD;
	s3 =	sshrl.u32 s3, $0x2  }
0x30: {  	s2 =	sand.u32 $0x4000, s31;
	s1 =	sadd.s32 s3, s30  }
0x31: {  	s0 =	sor.u32 s2, s0;
	s1 =	sshll.u32 s1, $0x11  }
0x32: {  	s0 =	sor.u32 s1, s0  }
0x33: {  	s0 =	sadd.s32 $0x8F2B, s0  }
0x34: {  	[sflag:s0] =	ssyncadd.remote.s32 $0x1  }
0x35: {  	_ =	sfence.sel $0xFFFF  }
0x36: {  	[dreg:$0x0] =	wrdreg $0xFFFFFFFF;
	(pc) =	sbr.abs _section_cstart, $3  }
0x37: {  	[dreg:$0x1] =	wrdreg $0xFFFFFFFF  }
0x38: {  	_ =	task.clear_ibuf [dreg:s6], $0x2FFFF;
	_ =	strace $0x9FFFFFFF  }
0x39: {  	(tm) =	ssettm $0x7FFFFFFF  }
tec
execute0_lowered:
.L_overlay_start_1:
0x0: {  	(tag) =	ssettag $0x1  }
0x1: {  	s0 =	srdreg.scid  }
0x2: {  	s5 =	rddreg [dreg:$0x0];
	s1 =	stileid.u32;
	s4 =	simm.s32 $0x1  }
0x3: {  	s6 =	simm.s32 $0x2;
	s8 =	simm.s32 $0x0;
	s2 =	sshll.u32 s0, $0x4  }
0x4: {  	s9 =	simm.s32 $0x0;
	s13 =	simm.s32 $0x0;
	s2 =	sand.u32 $0x10, s2  }
.Ltmp0:
0x5: {  	s10 =	simm.s32 $0x0;
	s3 =	sor.u32 s1, s2;
	(pc) =	sbr.rel .LBB1_1-.Ltmp0, $4  }
0x6: {  	s0 =	rddreg [dreg:$0x1];
	_ =	strace $0x80000047;
	s3 =	sshll.u32 s3, $0x4  }
0x7: {  	s12 =	simm.s32 $0x0;
	[sflag:s4] =	ssyncpa.u1 $0x0;
	s7 =	ssub.s32 $0x7A10, s3  }
0x8: {  	s2 =	sadd.s32 $0x1200, s5;
	[sflag:s6] =	ssyncpa.u1 $0x0;
	s6 =	sshrl.u32 s7, $0x9  }
0x9: {  	s5 =	sadd.s32 $0x3D1C00, s5;
	s11 =	smov.u32 s3;
	s7 =	sor.u32 $0x2, s6  }
.LBB1_7:
0xa: {  	s15 =	sshll.u32 s12, $0xF  }
0xb: {  	s15 =	sand.u32 $0x8000, s15  }
0xc: {  	s16 =	sshll.u32 s10, $0x7;
	s15 =	sshrl.u32 s15, $0x1  }
0xd: {  	s16 =	sadd.s32 s5, s16;
	s15 =	sor.u32 $0x8000, s15  }
0xe: {  	[hbm4b:s16+s8] =	stream.linear.scatter [tilespmem:s15], [sflag:$0x2], s14, $0x38;
	[tilespmem:$0x10000] =	vst v63  }
.LBB1_8:
0xf: {  	p0 =	slt.u32 s12, $0x2  }
0x10: {  	p1 =	sgt.s32 @!p0 s13, $0x7A02  }
0x11: {  	s14 =	smov.u32 s13;
	s15 =	sshra.s32 @!p0 s13, $0x1F;
	p1 =	por !p1, p0  }
0x12: {  	s13 =	sand.u32 @!p0 s15, s13;
	s14 =	simm.s32 @p1 $0x7A02  }
0x13: {  	s13 =	ssub.s32 @!p0 s14, s13  }
0x14: {  	s13 =	sadd.s32 @!p0 $0xFFFF85FE, s13  }
0x15: {  	s14 =	sshll.u32 @!p0 s13, $0xC  }
0x16: {  	p1 =	sgt.s32 @!p0 s13, $0xF;
	s13 =	ssub.s32 @!p0 $0x10000, s14  }
0x17: {  	s15 =	sadd.s32 $0x200, s11;
	p1 =	por !p1, p0;
	s13 =	sshrl.u32 @!p0 s13, $0x2  }
0x18: {  	s13 =	simm.s32 @!p1 $0x0;
	p1 =	sgt.s32 s15, $0x7A11  }
0x19: {  	s15 =	smov.u32 @p1 s3;
	p1 =	sne.s32 s12, s7  }
.Ltmp1:
0x1a: {  	_ = 	snop;
	(pc) =	sbr.rel @!p1 .LBB1_9-.Ltmp1, $4  }
0x1b: {  	s14 =	simm.s32 @!p0 $0x2  }
0x1c: {  	s9 =	sadd.s32 $0x8000, s9;
	_ =	swait.ge @!p0 [sflag:s14], s13;
	s16 =	ssub.s32 @!p0 $0x0, s13  }
0x1d: {  	s13 =	smov.u32 s10;
	s12 =	sadd.s32 $0x1, s12;
	[sflag:s14] =	ssyncset.done @!p0 $0x0  }
0x1e: {  	s10 =	smov.u32 s11;
	s11 =	smov.u32 s15;
	[sflag:s14] =	ssyncadd.s32 @!p0 s16  }
.LBB1_1:
0x1f: {  	p0 =	sgt.u32 s12, s6  }
0x20: {  	p1 =	sgt.s32 @!p0 s11, $0x7A02  }
0x21: {  	s14 =	smov.u32 s11;
	s15 =	sshra.s32 @!p0 s11, $0x1F;
	p1 =	por !p1, p0  }
0x22: {  	s15 =	sand.u32 @!p0 s15, s11;
	s14 =	simm.s32 @p1 $0x7A02  }
0x23: {  	s14 =	ssub.s32 @!p0 s14, s15  }
0x24: {  	s14 =	sadd.s32 @!p0 $0xFFFF85FE, s14  }
0x25: {  	s16 =	sshll.u32 @!p0 s11, $0x7;
	s17 =	simm.s32 @!p0 $0x0;
	s15 =	sshll.u32 @!p0 s14, $0xC  }
0x26: {  	p1 =	sgt.s32 @!p0 s14, $0xF;
	s14 =	ssub.s32 @!p0 $0x10000, s15;
	s15 =	sxor.u32 @!p0 $0xFFFFFFFF, s12  }
0x27: {  	p1 =	por !p1, p0;
	s14 =	sshrl.u32 @!p0 s14, $0x2;
	s15 =	sshll.u32 @!p0 s15, $0xE  }
0x28: {  	s16 =	sadd.s32 @!p0 s2, s16;
	s14 =	simm.s32 @!p1 $0x0;
	s15 =	sand.u32 @!p0 $0x4000, s15  }
0x29: {  	[tilespmem:s15], [sflag:$0x1] =	stream.linear.gather @!p0 [hbm4b:s16+s17], s14, $0x38;
	[tilespmem:$0x10000] =	vst v63  }
0x2a: {  	p0 =	seq.s32 s12, $0x0  }
0x2b: {  	p1 =	sge.u32 @!p0 s12, s7  }
0x2c: {  	p0 =	por p0, p1  }
.Ltmp2:
0x2d: {  	_ = 	snop;
	(pc) =	sbr.rel @p0 .LBB1_8-.Ltmp2, $1  }
0x2e: {  	_ =	sdelay $0x3  }
0x2f: {  	p0 =	sgt.s32 s10, $0x7A02;
	s14 =	smov.u32 s10;
	s15 =	sshra.s32 s10, $0x1F  }
0x30: {  	s14 =	simm.s32 @!p0 $0x7A02;
	s15 =	sand.u32 s15, s10  }
0x31: {  	s14 =	ssub.s32 s14, s15  }
0x32: {  	s16 =	sadd.s32 $0x10, s10;
	s14 =	sadd.s32 $0xFFFF85FE, s14  }
0x33: {  	p1 =	slt.s32 s16, $0x7A12;
	s30 =	sshll.u32 s14, $0xC  }
0x34: {  	s16 =	simm.s32 @!p1 $0x7A12;
	s15 =	ssub.s32 $0x10000, s30  }
0x35: {  	p0 =	sgt.s32 s14, $0xF;
	s14 =	sshrl.u32 s15, $0x2;
	s15 =	ssub.s32 s16, s10  }
0x36: {  	s14 =	simm.s32 @p0 $0x0;
	p0 =	slt.s32 s15, $0x1  }
.Ltmp3:
0x37: {  	_ = 	snop;
	(pc) =	sbr.rel @p0 .LBB1_7-.Ltmp3, $4  }
0x38: {  	_ = 	snop  }
0x39: {  	_ =	swait.ge [sflag:s4], s14  }
0x3a: {  	s31 =	ssub.s32 $0x0, s14;
	[sflag:s4] =	ssyncset.done $0x0  }
0x3b: {  	[sflag:s4] =	ssyncadd.s32 s31  }
0x3c: {  	s16 =	sshrl.u32 s9, $0x1  }
0x3d: {  	s17 =	sand.u32 $0x4000, s16  }
0x3e: {  	s18 =	simm.s32 $0x0;
	s16 =	sor.u32 $0x200, s17;
	s17 =	sor.u32 $0x8080, s17  }
.LBB1_4:
0x3f: {  	v0 =	vld [tilespmem:s16+$0xFFFFFE70]  }
0x40: {  	v1 =	vld [tilespmem:s16+$0x70]  }
0x41: {  	v2 =	vld [tilespmem:s16+$0x0]  }
0x42: {  	v3 =	vld [tilespmem:s16+$0xFFFFFE10]  }
0x43: {  	v4 =	vld [tilespmem:s16+$0x10]  }
0x44: {  	v5 =	vld [tilespmem:s16+$0xFFFFFE20]  }
0x45: {  	v7 =	vld [tilespmem:s16+$0x20]  }
0x46: {  	v11 =	vld [tilespmem:s16+$0x30];
	v6 =	vunpack.i.l.s16.s32 v0;
	v8 =	vunpack.i.u.s16.s32 v0;
	v9 =	vunpack.i.u.s16.s32 v1  }
0x47: {  	v10 =	vunpack.i.l.s16.s32 v1;
	v0 =	vunpack.i.u.s16.s32 v2;
	v1 =	vunpack.i.l.s16.s32 v2;
	v2 =	vld [tilespmem:s16+$0xFFFFFE30]  }
0x48: {  	v8 =	vpack.i.b32.b16 v9, v8;
	v9 =	vunpack.i.u.s16.s32 v3;
	v3 =	vunpack.i.l.s16.s32 v3  }
0x49: {  	v12 =	vld [tilespmem:s16+$0xFFFFFE40];
	v6 =	vpack.i.b32.b16 v10, v6;
	[tilespmem:s17+$0x70] =	vst v8;
	v8 =	vunpack.i.u.s16.s32 v4;
	v4 =	vunpack.i.l.s16.s32 v4  }
0x4a: {  	v13 =	vld [tilespmem:s16+$0x40];
	v10 =	vunpack.i.u.s16.s32 v5;
	v5 =	vunpack.i.l.s16.s32 v5;
	[tilespmem:s17+$0xFFFFFFF0] =	vst v6;
	v3 =	vpack.i.b32.b16 v4, v3  }
0x4b: {  	v6 =	vunpack.i.l.s16.s32 v7;
	v4 =	vld [tilespmem:s16+$0xFFFFFE50];
	[tilespmem:s17+$0xFFFFFF90] =	vst v3;
	v3 =	vpack.i.b32.b16 v8, v9;
	v8 =	vunpack.i.u.s16.s32 v7  }
0x4c: {  	v7 =	vunpack.i.l.s16.s32 v11;
	[tilespmem:s17+$0x10] =	vst v3;
	v3 =	vpack.i.b32.b16 v6, v5;
	v9 =	vunpack.i.u.s16.s32 v2;
	v6 =	vld [tilespmem:s16+$0x50]  }
0x4d: {  	v5 =	vunpack.i.l.s16.s32 v2;
	v2 =	vld [tilespmem:s16+$0xFFFFFE60];
	[tilespmem:s17+$0xFFFFFFA0] =	vst v3;
	v3 =	vpack.i.b32.b16 v8, v10;
	v10 =	vunpack.i.u.s16.s32 v11  }
0x4e: {  	s21 =	simm.s32 $0x0;
	v11 =	vpack.i.b32.b16 v7, v5;
	v7 =	vunpack.i.u.s16.s32 v12;
	v8 =	vunpack.i.l.s16.s32 v12;
	[tilespmem:s17+$0x20] =	vst v3;
	v3 =	vld [tilespmem:s16+$0x60]  }
0x4f: {  	s22 =	sadd.s32 $0x80, s16;
	s20 =	smov.u32 s17;
	s19 =	smov.u32 s17;
	v5 =	vld [tilespmem:s16+$0xFFFFFE00];
	[tilespmem:s17+$0xFFFFFFB0] =	vst v11;
	v10 =	vpack.i.b32.b16 v10, v9;
	v9 =	vunpack.i.u.s16.s32 v13;
	v11 =	vunpack.i.l.s16.s32 v13  }
.LBB1_5:
0x50: {  	v12 =	vld [tilespmem:s22+$0xFFFFFE70];
	[tilespmem:s20+$0x30] =	vst v10;
	v8 =	vpack.i.b32.b16 v11, v8;
	v10 =	vunpack.i.u.s16.s32 v4;
	v4 =	vunpack.i.l.s16.s32 v4  }
0x51: {  	s21 =	sadd.s32 $0x2, s21;
	v7 =	vpack.i.b32.b16 v9, v7;
	v11 =	vld [tilespmem:s22+$0x70];
	[tilespmem:s20+$0xFFFFFFC0] =	vst v8;
	v8 =	vunpack.i.u.s16.s32 v6;
	v6 =	vunpack.i.l.s16.s32 v6  }
0x52: {  	p0 =	slt.u32 s21, $0x6;
	v9 =	vld [tilespmem:s22+$0x0];
	[tilespmem:s20+$0x40] =	vst v7;
	v4 =	vpack.i.b32.b16 v6, v4;
	v6 =	vunpack.i.u.s16.s32 v2;
	v2 =	vunpack.i.l.s16.s32 v2  }
0x53: {  	v7 =	vld [tilespmem:s22+$0xFFFFFE10];
	[tilespmem:s20+$0xFFFFFFD0] =	vst v4;
	v4 =	vpack.i.b32.b16 v8, v10;
	v8 =	vunpack.i.u.s16.s32 v3;
	v3 =	vunpack.i.l.s16.s32 v3  }
0x54: {  	v10 =	vld [tilespmem:s22+$0x10];
	v13 =	vunpack.i.u.s16.s32 v5;
	v5 =	vunpack.i.l.s16.s32 v5;
	[tilespmem:s20+$0x50] =	vst v4;
	v2 =	vpack.i.b32.b16 v3, v2  }
0x55: {  	v3 =	vld [tilespmem:s22+$0xFFFFFE20];
	v4 =	vunpack.i.l.s16.s32 v12;
	v1 =	vpack.i.b32.b16 v1, v5;
	v5 =	vpack.i.b32.b16 v0, v13;
	[tilespmem:s20+$0xFFFFFFE0] =	vst v2  }
0x56: {  	v12 =	vunpack.i.u.s16.s32 v12;
	v2 =	vld [tilespmem:s22+$0x20];
	v13 =	vunpack.i.u.s16.s32 v11;
	v11 =	vunpack.i.l.s16.s32 v11;
	[tilespmem:s20+$0xFFFFFF80] =	vst v1  }
0x57: {  	s20 =	sadd.s32 $0x100, s20;
	v0 =	vunpack.i.u.s16.s32 v9;
	v1 =	vunpack.i.l.s16.s32 v9;
	v9 =	vld [tilespmem:s22+$0xFFFFFE30];
	v12 =	vpack.i.b32.b16 v13, v12;
	[tilespmem:s19+$0x0] =	vst v5  }
0x58: {  	v6 =	vpack.i.b32.b16 v8, v6;
	v5 =	vunpack.i.u.s16.s32 v7;
	v7 =	vunpack.i.l.s16.s32 v7;
	v13 =	vld [tilespmem:s22+$0x30];
	[tilespmem:s20+$0x70] =	vst v12  }
0x59: {  	v4 =	vpack.i.b32.b16 v11, v4;
	v8 =	vunpack.i.u.s16.s32 v10;
	v10 =	vunpack.i.l.s16.s32 v10;
	v12 =	vld [tilespmem:s22+$0xFFFFFE40];
	[tilespmem:s19+$0x60] =	vst v6;
	s19 =	smov.u32 s20  }
0x5a: {  	v6 =	vpack.i.b32.b16 v10, v7;
	v7 =	vunpack.i.u.s16.s32 v3;
	v3 =	vunpack.i.l.s16.s32 v3;
	v11 =	vld [tilespmem:s22+$0x40];
	[tilespmem:s20+$0xFFFFFFF0] =	vst v4  }
.Ltmp4:
0x5b: {  	v5 =	vpack.i.b32.b16 v8, v5;
	[tilespmem:s20+$0xFFFFFF90] =	vst v6;
	v8 =	vunpack.i.u.s16.s32 v2;
	v2 =	vunpack.i.l.s16.s32 v2;
	v4 =	vld [tilespmem:s22+$0xFFFFFE50];
	(pc) =	sbr.rel @p0 .LBB1_5-.Ltmp4, $4  }
0x5c: {  	[tilespmem:s20+$0x10] =	vst v5;
	v2 =	vpack.i.b32.b16 v2, v3;
	v10 =	vunpack.i.u.s16.s32 v9;
	v3 =	vunpack.i.l.s16.s32 v9;
	v6 =	vld [tilespmem:s22+$0x50]  }
0x5d: {  	v5 =	vpack.i.b32.b16 v8, v7;
	[tilespmem:s20+$0xFFFFFFA0] =	vst v2;
	v9 =	vunpack.i.u.s16.s32 v13;
	v7 =	vunpack.i.l.s16.s32 v13;
	v2 =	vld [tilespmem:s22+$0xFFFFFE60]  }
0x5e: {  	[tilespmem:s20+$0x20] =	vst v5;
	v13 =	vpack.i.b32.b16 v7, v3;
	v7 =	vunpack.i.u.s16.s32 v12;
	v8 =	vunpack.i.l.s16.s32 v12;
	v3 =	vld [tilespmem:s22+$0x60]  }
0x5f: {  	v10 =	vpack.i.b32.b16 v9, v10;
	v5 =	vld [tilespmem:s22+$0xFFFFFE00];
	[tilespmem:s20+$0xFFFFFFB0] =	vst v13;
	v9 =	vunpack.i.u.s16.s32 v11;
	v11 =	vunpack.i.l.s16.s32 v11;
	s22 =	sadd.s32 $0x80, s22  }
0x60: {  	[tilespmem:s20+$0x30] =	vst v10;
	v8 =	vpack.i.b32.b16 v11, v8  }
0x61: {  	v51 =	vunpack.i.l.s16.s32 v4;
	v7 =	vpack.i.b32.b16 v9, v7;
	[tilespmem:s20+$0xFFFFFFC0] =	vst v8;
	v52 =	vunpack.i.l.s16.s32 v6  }
0x62: {  	v53 =	vunpack.i.u.s16.s32 v4;
	s18 =	sadd.s32 $0x1, s18;
	v54 =	vunpack.i.u.s16.s32 v6;
	[tilespmem:s20+$0x40] =	vst v7;
	v55 =	vpack.i.b32.b16 v52, v51  }
0x63: {  	p0 =	sne.s32 s18, s15;
	v56 =	vunpack.i.l.s16.s32 v2;
	v4 =	vpack.i.b32.b16 v54, v53;
	[tilespmem:s20+$0xFFFFFFD0] =	vst v55;
	v57 =	vunpack.i.l.s16.s32 v3  }
.Ltmp5:
0x64: {  	[tilespmem:s20+$0x50] =	vst v4;
	v58 =	vunpack.i.l.s16.s32 v5;
	v59 =	vpack.i.b32.b16 v57, v56;
	(pc) =	sbr.rel @p0 .LBB1_4-.Ltmp5, $4  }
.Ltmp6:
0x65: {  	v61 =	vunpack.i.u.s16.s32 v2;
	v62 =	vunpack.i.u.s16.s32 v3;
	v1 =	vpack.i.b32.b16 v1, v58;
	[tilespmem:s20+$0xFFFFFFE0] =	vst v59;
	(pc) =	sbr.rel @!p0 .LBB1_7-.Ltmp6, $4  }
0x66: {  	v60 =	vunpack.i.u.s16.s32 v5;
	v63 =	vpack.i.b32.b16 v62, v61;
	[tilespmem:s20+$0xFFFFFF80] =	vst v1  }
0x67: {  	v0 =	vpack.i.b32.b16 v0, v60;
	[tilespmem:s19+$0x60] =	vst v63  }
0x68: {  	s16 =	sadd.s32 $0x400, s16;
	s17 =	sadd.s32 $0x400, s17;
	[tilespmem:s19+$0x0] =	vst v0  }
0x69: {  	_ = 	snop  }
.LBB1_9:
0x6a: {  	_ =	sfence.sel $0x180000  }
0x6b: {  	s2 =	simm.s32 $0x1;
	[bflag:$0x0] =	sbarrier.arrive $0xFFFF  }
0x6c: {  	s31 =	simm.s32 $0x2;
	[sflag:s2] =	ssyncpa.u1 $0x1  }
0x6d: {  	[sflag:s31] =	ssyncpa.u1 $0x1  }
0x6e: {  	p0 =	sne.s32 s1, $0x0;
	_ =	strace $0x90000047  }
0x6f: {  	s0 =	sadd.s32 @!p0 $0x100000, s0;
	[bflag:$0x2] =	sbarrier.arrive $0xFFFF  }
0x70: {  	[sflag:s0] =	ssyncadd.tile.s32 @!p0 $0x1;
	_ =	shalt  }
.Lfunc_end1:
_tile_overlayer_lowered:
.L_overlay_start_2:
0x71: {  	(tag) =	ssettag $0x2  }
0x72: {  	s0 =	rddreg [dreg:$0x0];
	s2 =	stileid.u32  }
0x73: {  	s1 =	rddreg [dreg:$0x1];
	p0 =	sne.s32 s2, $0x0  }
0x74: {  	s3 =	rddreg [dreg:$0x2];
	[bflag:$0x3] =	sbarrier.arrive $0xFFFF;
	s2 =	simm.s32 @!p0 $0x1C01  }
0x75: {  	[timem:s3], [sflag:s2] =	dma.local @!p0 [hbm:s0], s1  }
0x76: {  	s0 =	simm.s32 @!p0 $0x1  }
0x77: {  	_ =	swait.ge @!p0 [sflag:s0], s1  }
0x78: {  	s1 =	ssub.s32 @!p0 $0x0, s1;
	[sflag:s0] =	ssyncset.done @!p0 $0x0  }
0x79: {  	[sflag:s0] =	ssyncadd.s32 @!p0 s1  }
0x7a: {  	[bflag:$0x3] =	sbarrier.arrive $0xFFFF  }
0x7b: {  	_ =	shalt  }

// kernel: sparse-core-data-format-call.cloned.1.call-start
scs
called_computation_lowered:
.L_overlay_start_0:
0x0: {  	s2 =	sld [smem:$0x3FD9]  }
0x1: {  	s3 =	sld [smem:$0x3FFE];
	_ =	sdelay $0x1  }
0x2: {  	s1 =	srdreg.scid  }
0x3: {  	s0 =	sand.u32 $0x1, s1  }
0x4: {  	s18 =	sshll.u32 s0, $0xA;
	s2 =	sadd.s32 s3, s2  }
0x5: {  	s2 =	sadd.s32 s2, s18  }
0x6: {  	[smem:$0x3FC6] =	sst s2  }
0x7: {  	_ = 	snop  }
0x8: {  	s2 =	sld [smem:$0x3FD0];
	(tm) =	ssettm $0x1  }
0x9: {  	s19 =	sld [smem:$0x3FFB];
	_ =	sdelay $0x3  }
0xa: {  	_ =	strace s19  }
0xb: {  	s3 =	sld [smem:$0x3FFC];
	_ =	sdelay $0x3  }
0xc: {  	_ =	strace s3  }
0xd: {  	s3 =	sld [smem:$0x3FFD];
	_ =	sdelay $0x3  }
0xe: {  	_ =	strace s3  }
0xf: {  	_ =	strace $0x8FFFFFFF  }
0x10: {  	s20 =	sld [smem:$0x3FDB];
	_ =	sdelay $0x1  }
0x11: {  	s4 =	simm.s32 $_scs_section_size  }
0x12: {  	s5 =	simm.s32 $_size__tile_overlayer_lowered;
	s6 =	simm.s32 $_tile_overlayer_lowered  }
0x13: {  	s23 =	simm.s32 $0x1BFF;
	s22 =	sshll.u32 s6, $0x1;
	s3 =	sadd.s32 s4, s20  }
0x14: {  	s7 =	simm.s32 $0x0;
	s21 =	sshll.u32 s5, $0x1;
	s5 =	sadd.s32 s22, s3  }
0x15: {  	[timem:s7], [sflag:s23] =	dma.local [hbm:s5], s21  }
0x16: {  	_ =	swait.ge [sflag:s23], s21  }
0x17: {  	s4 =	ssub.s32 $0x0, s21;
	[sflag:s23] =	ssyncset.done $0x0  }
0x18: {  	[sflag:s23] =	ssyncadd.s32 s4;
	_ =	sdelay $0x1  }
0x19: {  	s24 =	simm.s32 $0x1B8B  }
0x1a: {  	_ =	swait.ge [sflag:s24], $0x1  }
0x1b: {  	[sflag:s24] =	ssyncset.done $0x0  }
0x1c: {  	s26 =	simm.s32 $0x1B8E;
	s25 =	sld [smem:$0x3FFE];
	[sflag:s24] =	ssyncadd.s32 $0xFFFFFFFF  }
0x1d: {  	s27 =	simm.s32 $execute0_lowered;
	[smem:$0x3FD2] =	sst s26  }
0x1e: {  	s5 =	sshll.u32 s27, $0x1;
	_ =	strace $0x8000004F;
	[dreg:$0x1] =	wrdreg $0xFFFFFFFF  }
0x1f: {  	s28 =	simm.s32 $_size_execute0_lowered;
	s3 =	sadd.s32 s3, s5;
	[dreg:$0x0] =	wrdreg $0x0  }
0x20: {  	s5 =	sshll.u32 s28, $0x1;
	[dreg:$0x2] =	wrdreg s3  }
0x21: {  	[dreg:$0x3] =	wrdreg s5  }
0x22: {  	[dreg:$0x4] =	wrdreg $0xC0  }
0x23: {  	_ =	task [dreg:s7], $0x5FFFF  }
0x24: {  	[dreg:$0x1] =	wrdreg $0xFFFFFFFF  }
0x25: {  	[dreg:$0x0] =	wrdreg $0x60  }
0x26: {  	[dreg:$0x2] =	wrdreg s25  }
0x27: {  	[dreg:$0x3] =	wrdreg s2  }
0x28: {  	[dreg:$0x4] =	wrdreg $0x9  }
0x29: {  	_ =	task.clear_ibuf [dreg:s7], $0x5FFFF;
	_ =	strace $0x9000004F  }
0x2a: {  	s29 =	simm.s32 $0x9;
	_ =	strace $0x80000051  }
0x2b: {  	_ =	swait.ge [sflag:s29], $0x1  }
0x2c: {  	[sflag:s29] =	ssyncadd.s32 $0xFFFFFFFF  }
0x2d: {  	_ =	strace $0x90000051  }
0x2e: {  	_ =	sfence  }
0x2f: {  	s30 =	sld [smem:$0x0];
	_ =	sdelay $0x2  }
0x30: {  	s31 =	sshll.u32 s1, $0xD;
	s1 =	sshrl.u32 s1, $0x2  }
0x31: {  	s3 =	sand.u32 $0x4000, s31;
	s1 =	sadd.s32 s1, s30  }
0x32: {  	s0 =	sor.u32 s3, s0;
	s1 =	sshll.u32 s1, $0x11  }
0x33: {  	s0 =	sor.u32 s1, s0  }
0x34: {  	s0 =	sadd.s32 $0x8F2B, s0  }
0x35: {  	[sflag:s0] =	ssyncadd.remote.s32 $0x1  }
0x36: {  	_ =	sfence.sel $0xFFFF  }
0x37: {  	[dreg:$0x0] =	wrdreg $0xFFFFFFFF;
	(pc) =	sbr.abs _section_cstart, $3  }
0x38: {  	[dreg:$0x1] =	wrdreg $0xFFFFFFFF  }
0x39: {  	_ =	task.clear_ibuf [dreg:s7], $0x2FFFF;
	_ =	strace $0x9FFFFFFF  }
0x3a: {  	(tm) =	ssettm $0x7FFFFFFF  }
0x3b: {  	_ =	shalt  }
tec
execute0_lowered:
.L_overlay_start_1:
0x0: {  	(tag) =	ssettag $0x1  }
0x1: {  	s0 =	srdreg.scid  }
0x2: {  	s1 =	sshll.u32 s0, $0x4  }
0x3: {  	s0 =	stileid.u32;
	s1 =	sand.u32 $0x10, s1  }
0x4: {  	s1 =	sor.u32 s0, s1  }
0x5: {  	s6 =	rddreg [dreg:$0x0];
	s4 =	simm.s32 $0x1;
	s2 =	sshll.u32 s1, $0x7  }
0x6: {  	s7 =	simm.s32 $0x2;
	s13 =	simm.s32 $0x0;
	s1 =	ssub.s32 $0x4000, s2  }
0x7: {  	s8 =	simm.s32 $0x10000;
	s12 =	simm.s32 $0x0;
	s3 =	sand.u32 $0xF80, s1  }
0x8: {  	s9 =	simm.s32 $0x0;
	s5 =	sshrl.u32 s1, $0xC;
	p0 =	sne.s32 s3, $0x0  }
.Ltmp0:
0x9: {  	s1 =	rddreg [dreg:$0x2];
	s4 =	simm.s32 @!p0 $0x0;
	(pc) =	sbr.rel .LBB1_1-.Ltmp0, $4  }
0xa: {  	s11 =	simm.s32 $0x0;
	s3 =	rddreg [dreg:$0x1];
	s5 =	sadd.s32 s4, s5  }
0xb: {  	_ =	strace $0x80000050;
	s4 =	simm.s32 $0x1;
	s5 =	smul.u32 $0x19, s5  }
0xc: {  	s6 =	sadd.s32 $0x321200, s6;
	s10 =	smov.u32 s2;
	[sflag:s4] =	ssyncpa.u1 $0x0  }
0xd: {  	p0 =	por $0x0, $0x0;
	[sflag:s7] =	ssyncpa.u1 $0x0;
	s7 =	sadd.s32 $0x1, s5  }
.LBB1_4:
0xe: {  	v1 =	vperm.xlane.i2c.b16 v1;
	v0 =	vperm.xlane.i2c.b16 v0  }
0xf: {  	v2 =	vperm.xlane.i2c.b16 v2;
	v3 =	vperm.xlane.i2c.b16 v3  }
0x10: {  	[tilespmem:s16+$0x0 ss:$0x81] =	vst.msk $0xffff, v5;
	s17 =	sshra.s32 s17, $0x2;
	s18 =	sshll.u32 s12, $0x3;
	s19 =	sshll.u32 s12, $0x1;
	v62 =	vcombine.low v0, v1  }
0x11: {  	s13 =	sshll.u32 s13, $0x10;
	s30 =	sshrl.u32 s12, $0x1;
	[tilespmem:s16+$0x1020 ss:$0x81] =	vst.msk $0xffff, v4;
	s15 =	sadd.s32 s17, s15;
	v63 =	vcombine.low v3, v2  }
0x12: {  	s31 =	sand.u32 $0x7, s12;
	s28 =	sand.u32 $0xF0, s19;
	s29 =	sand.u32 $0x3C00, s18;
	v0 =	vcombine.high v0, v1;
	[tilespmem:s15+$0x810 ss:$0x81] =	vst.msk $0xffff, v62  }
0x13: {  	s17 =	sand.u32 $0xFC00, s30;
	s13 =	sadd.s32 s3, s13;
	s16 =	sor.u32 s28, s29;
	v2 =	vcombine.high v3, v2;
	[tilespmem:s15+$0x0 ss:$0x81] =	vst.msk $0xffff, v63  }
0x14: {  	s12 =	sshll.u32 s31, $0x12;
	s13 =	sadd.s32 s17, s13;
	s16 =	sshrl.u32 s16, $0x4;
	[tilespmem:s15+$0x1830 ss:$0x81] =	vst.msk $0xffff, v0  }
0x15: {  	s12 =	sor.u32 $0x200, s12;
	s13 =	sadd.s32 s16, s13;
	[tilespmem:s15+$0x1020 ss:$0x81] =	vst.msk $0xffff, v2  }
0x16: {  	[hbm4b:s13+s12] =	stream.strided.scatter [tilespmem:s14], [sflag:$0x2], $0x2000, s8, s12, $0x20;
	[tilespmem:$0x8080] =	vst v63  }
.LBB1_5:
0x17: {  	s14 =	sadd.s32 $0x2, s9  }
0x18: {  	s12 =	sadd.s32 $0x1000, s10;
	s16 =	smov.u32 s10;
	p2 =	sgt.s32 s14, $0x31  }
0x19: {  	s16 =	smov.u32 @p2 s12  }
0x1a: {  	s14 =	simm.s32 @p2 $0x0;
	p2 =	sgt.s32 s16, $0x3FFF  }
0x1b: {  	s16 =	smov.u32 @p2 s2;
	p2 =	sne.s32 s11, s7  }
.Ltmp1:
0x1c: {  	p1 =	slt.u32 s11, $0x2;
	(pc) =	sbr.rel @!p2 .LBB1_6-.Ltmp1, $4  }
0x1d: {  	s15 =	simm.s32 @!p1 $0x2  }
0x1e: {  	s13 =	smov.u32 s9;
	p0 =	por !p0, !p0;
	_ =	swait.ge @!p1 [sflag:s15], $0x2000  }
0x1f: {  	s12 =	smov.u32 s10;
	[sflag:s15] =	ssyncset.done @!p1 $0x0;
	s9 =	smov.u32 s14  }
0x20: {  	s11 =	sadd.s32 $0x1, s11;
	[sflag:s15] =	ssyncadd.s32 @!p1 $0xFFFFE000;
	s10 =	smov.u32 s16  }
.LBB1_1:
0x21: {  	p1 =	sge.u32 s11, s5  }
0x22: {  	s14 =	sand.u32 @!p1 $0x1FFFFFE, s9  }
0x23: {  	s15 =	smulhi.u32 @!p1 $0x4924925, s14;
	_ =	sdelay $0x1  }
0x24: {  	s15 =	smul.u32 @!p1 $0x38, s15  }
0x25: {  	s31 =	sadd.s32 $0xFFFFFFFF, s11;
	s16 =	smul.u32 @!p1 $0x1C0, s10  }
0x26: {  	s17 =	simm.s32 @!p1 $0xE00;
	s14 =	ssub.s32 @!p1 s14, s15;
	s15 =	sxor.u32 @!p1 $0xFFFFFFFF, s11  }
0x27: {  	s16 =	sadd.s32 @!p1 s6, s16;
	s14 =	sshll.u32 @!p1 s14, $0x3;
	s15 =	sshll.u32 @!p1 s15, $0xD  }
0x28: {  	s14 =	sadd.s32 @!p1 s14, s16;
	s15 =	sand.u32 @!p1 $0x2000, s15;
	s16 =	simm.s32 @!p1 $0x40  }
0x29: {  	[tilespmem:s15], [sflag:$0x1] =	stream.strided.gather @!p1 [hbm4b:s14+s16], $0x2000, s17, s16, $0x38;
	[tilespmem:$0x8080] =	vst v63  }
0x2a: {  	p1 =	sge.u32 s31, s5  }
.Ltmp2:
0x2b: {  	_ = 	snop;
	(pc) =	sbr.rel @p1 .LBB1_5-.Ltmp2, $1  }
0x2c: {  	_ =	sdelay $0x3  }
0x2d: {  	s14 =	simm.s32 $0x1  }
0x2e: {  	_ =	swait.ge [sflag:s4], $0x2000;
	s14 =	simm.s32 @!p0 $0x0  }
0x2f: {  	[sflag:s4] =	ssyncset.done $0x0;
	s15 =	sshll.u32 s14, $0xD  }
0x30: {  	[sflag:s4] =	ssyncadd.s32 $0xFFFFE000;
	s15 =	sor.u32 $0x20, s15  }
0x31: {  	v0 =	vld [tilespmem:s15+$0x0]  }
0x32: {  	v1 =	vld [tilespmem:s15+$0x10]  }
0x33: {  	v2 =	vld [tilespmem:s15+$0xFFFFFFF0]  }
0x34: {  	v3 =	vld [tilespmem:s15+$0xFFFFFFE0];
	_ =	sdelay $0x1  }
0x35: {  	s14 =	smul.u32 $0x8100, s14;
	s19 =	sadd.s32 $0x40, s15  }
0x36: {  	s16 =	sand.u32 $0x1, s11;
	v4 =	vperm.xlane.i2c.b16 v1;
	v5 =	vperm.xlane.i2c.b16 v0;
	v0 =	vld [tilespmem:s19+$0x0]  }
0x37: {  	s16 =	smul.u32 $0x8100, s16;
	s14 =	sshrl.u32 s14, $0x2;
	v6 =	vperm.xlane.i2c.b16 v2;
	v1 =	vld [tilespmem:s19+$0x10]  }
0x38: {  	s15 =	sor.u32 $0x4000, s14;
	v8 =	vperm.xlane.i2c.b16 v3;
	v2 =	vld [tilespmem:s19+$0xFFFFFFF0];
	v7 =	vcombine.low v5, v4  }
0x39: {  	s31 =	sshrl.u32 s16, $0x2;
	s16 =	sadd.s32 $0x0, s15;
	v3 =	vld [tilespmem:s19+$0xFFFFFFE0];
	v9 =	vcombine.high v5, v4  }
0x3a: {  	s17 =	simm.s32 $0x4;
	v5 =	vcombine.low v8, v6;
	[tilespmem:s16+$0x810 ss:$0x81] =	vst.msk $0xffff, v7  }
0x3b: {  	s18 =	simm.s32 $0x8;
	s14 =	sor.u32 $0x4000, s31;
	s19 =	sadd.s32 $0x40, s19;
	v4 =	vcombine.high v8, v6;
	[tilespmem:s16+$0x1830 ss:$0x81] =	vst.msk $0xffff, v9  }
.LBB1_3:
0x3c: {  	v6 =	vperm.xlane.i2c.b16 v1;
	v7 =	vperm.xlane.i2c.b16 v0;
	v0 =	vld [tilespmem:s19+$0x0];
	[tilespmem:s16+$0x0 ss:$0x81] =	vst.msk $0xffff, v5;
	s20 =	smov.u32 s18;
	p1 =	sne.s32 s18, $0x1FC  }
.Ltmp3:
0x3d: {  	v8 =	vperm.xlane.i2c.b16 v2;
	v1 =	vld [tilespmem:s19+$0x10];
	[tilespmem:s16+$0x1020 ss:$0x81] =	vst.msk $0xffff, v4;
	(pc) =	sbr.rel @p1 .LBB1_3-.Ltmp3, $4  }
0x3e: {  	s18 =	sadd.s32 $0x4, s18;
	v4 =	vperm.xlane.i2c.b16 v3;
	s16 =	sshra.s32 s17, $0x2;
	v2 =	vld [tilespmem:s19+$0xFFFFFFF0];
	v9 =	vcombine.low v7, v6  }
0x3f: {  	s17 =	smov.u32 s20;
	s16 =	sadd.s32 s16, s15;
	v6 =	vcombine.high v7, v6;
	v3 =	vld [tilespmem:s19+$0xFFFFFFE0]  }
0x40: {  	v5 =	vcombine.low v4, v8;
	v4 =	vcombine.high v4, v8;
	[tilespmem:s16+$0x810 ss:$0x81] =	vst.msk $0xffff, v9  }
0x41: {  	s19 =	sadd.s32 $0x40, s19;
	[tilespmem:s16+$0x1830 ss:$0x81] =	vst.msk $0xffff, v6  }
.Ltmp4:
0x42: {  	_ = 	snop;
	(pc) =	sbr.rel .LBB1_4-.Ltmp4, $1  }
0x43: {  	_ =	sdelay $0x3  }
.LBB1_6:
0x44: {  	_ =	sfence.sel $0x180000  }
0x45: {  	s2 =	simm.s32 $0x1;
	[bflag:$0x0] =	sbarrier.arrive $0xFFFF  }
0x46: {  	s31 =	simm.s32 $0x2;
	[sflag:s2] =	ssyncpa.u1 $0x1  }
0x47: {  	[sflag:s31] =	ssyncpa.u1 $0x1  }
0x48: {  	p0 =	sne.s32 s0, $0x0;
	_ =	strace $0x90000050  }
0x49: {  	s0 =	sadd.s32 @!p0 $0x100000, s1;
	[bflag:$0x2] =	sbarrier.arrive $0xFFFF  }
0x4a: {  	[sflag:s0] =	ssyncadd.tile.s32 @!p0 $0x1;
	_ =	shalt  }
.Lfunc_end1:
_tile_overlayer_lowered:
.L_overlay_start_2:
0x4b: {  	(tag) =	ssettag $0x2  }
0x4c: {  	s0 =	rddreg [dreg:$0x0];
	s2 =	stileid.u32  }
0x4d: {  	s1 =	rddreg [dreg:$0x1];
	p0 =	sne.s32 s2, $0x0  }
0x4e: {  	s3 =	rddreg [dreg:$0x2];
	[bflag:$0x3] =	sbarrier.arrive $0xFFFF;
	s2 =	simm.s32 @!p0 $0x1C01  }
0x4f: {  	[timem:s3], [sflag:s2] =	dma.local @!p0 [hbm:s0], s1  }
0x50: {  	s0 =	simm.s32 @!p0 $0x1  }
0x51: {  	_ =	swait.ge @!p0 [sflag:s0], s1  }
0x52: {  	s1 =	ssub.s32 @!p0 $0x0, s1;
	[sflag:s0] =	ssyncset.done @!p0 $0x0  }
0x53: {  	[sflag:s0] =	ssyncadd.s32 @!p0 s1  }
0x54: {  	[bflag:$0x3] =	sbarrier.arrive $0xFFFF  }
0x55: {  	_ =	shalt  }

</sc_bundles>
